<compile_context>
chip_gen: v7x
topology: tpu7x:2x2x1
jax: 0.10.2.dev20260603
libtpu: 0.0.44.dev20260713+nightly
codegen_flags: <defaults>
</compile_context>

<pallas_src>
import functools

import jax
import jax.numpy as jnp
from jax import lax
from jax.experimental import pallas as pl
from jax.experimental.pallas import tpu as pltpu
from jax.experimental.pallas import tpu_sc as plsc

T = 2048
D = 1024
DFF = 1024
EXP = 8
KTOP = 2
NA = T * KTOP

BT = 256
MAXBLK = NA // BT + EXP - 1
BT1 = 512

NC = 2
NS = 16
NW = NC * NS



def _route_body(x_ref, gwt_ref, logits_ref, wts_ref, offp_ref, bexp_ref,
                nact_ref, pos_ref, p0_ref, p1_ref, carry, ti_s, rk_s):
    i = pl.program_id(0)
    nsteps = T // BT1

    @pl.when(i == 0)
    def _init():
        carry[...] = jnp.zeros_like(carry)

    @pl.when(i == nsteps)
    def _pos_step():
        ti = ti_s[...]
        acc = rk_s[...]
        offv = offp_ref[...]
        for e in range(EXP):
            acc = acc + jnp.where(ti == e, offv[:, e:e + 1], 0)
        pos_ref[...] = acc
        p0_ref[...] = acc[:, 0:1]
        p1_ref[...] = acc[:, 1:2]

    @pl.when(i < nsteps)
    def _route_step():
        _route_step_body(i, nsteps, x_ref, gwt_ref, logits_ref, wts_ref,
                         offp_ref, bexp_ref, nact_ref, carry, ti_s, rk_s)


def _route_step_body(i, nsteps, x_ref, gwt_ref, logits_ref, wts_ref,
                     offp_ref, bexp_ref, nact_ref, carry, ti_s, rk_s):
    x = x_ref[...]
    logits = jnp.dot(x, gwt_ref[...], preferred_element_type=jnp.float32)
    logits_ref[...] = logits

    m = jnp.max(logits, axis=1, keepdims=True)
    ex = jnp.exp(logits - m)
    p = ex / jnp.sum(ex, axis=1, keepdims=True)

    iota_e = lax.broadcasted_iota(jnp.int32, (BT1, EXP), 1)
    v0 = jnp.max(p, axis=1, keepdims=True)
    i0 = jnp.min(jnp.where(p == v0, iota_e, EXP), axis=1, keepdims=True)
    pm = jnp.where(iota_e == i0, -jnp.inf, p)
    v1 = jnp.max(pm, axis=1, keepdims=True)
    i1 = jnp.min(jnp.where(pm == v1, iota_e, EXP), axis=1, keepdims=True)
    s = v0 + v1
    wts_ref[...] = jnp.concatenate([v0 / s, v1 / s], axis=1)
    ti_s[pl.ds(i * BT1, BT1), :] = jnp.concatenate([i0, i1], axis=1)

    oh0 = (iota_e == i0).astype(jnp.float32)
    oh1 = (iota_e == i1).astype(jnp.float32)
    r_i = lax.broadcasted_iota(jnp.int32, (BT1, BT1), 0)
    c_i = lax.broadcasted_iota(jnp.int32, (BT1, BT1), 1)
    ltri = (c_i < r_i).astype(jnp.float32)
    cums = jnp.dot(ltri, jnp.concatenate([oh0, oh1], axis=1),
                   preferred_element_type=jnp.float32)
    cums0 = cums[:, :EXP]
    cums1 = cums[:, EXP:]
    base = carry[...]
    r0 = jnp.sum(oh0 * (base + cums0 + cums1), axis=1, keepdims=True)
    r1 = jnp.sum(oh1 * (base + cums0 + oh0 + cums1), axis=1, keepdims=True)
    rk_s[pl.ds(i * BT1, BT1), :] = jnp.concatenate(
        [r0, r1], axis=1).astype(jnp.int32)
    newc = base + jnp.sum(oh0 + oh1, axis=0, keepdims=True)
    carry[...] = newc

    @pl.when(i == nsteps - 1)
    def _epilogue():
        g = newc
        nblk = jnp.floor((g + (BT - 1)) * (1.0 / BT))
        e_r = lax.broadcasted_iota(jnp.int32, (EXP, EXP), 0)
        e_c = lax.broadcasted_iota(jnp.int32, (EXP, EXP), 1)
        m_strict = (e_r < e_c).astype(jnp.float32)
        m_incl = (e_r <= e_c).astype(jnp.float32)
        offb = jnp.dot(nblk, m_strict, preferred_element_type=jnp.float32)
        cumb = jnp.dot(nblk, m_incl, preferred_element_type=jnp.float32)
        offp_ref[...] = (offb * BT).astype(jnp.int32)
        nact_ref[...] = jnp.sum(nblk, axis=1, keepdims=True).astype(jnp.int32)
        b_row = lax.broadcasted_iota(jnp.int32, (1, MAXBLK), 1).astype(
            jnp.float32)
        bexp = jnp.zeros((1, MAXBLK), jnp.float32)
        for e in range(EXP):
            bexp = bexp + (b_row >= cumb[:, e:e + 1]).astype(jnp.float32)
        iota8 = lax.broadcasted_iota(jnp.int32, (1, EXP), 1).astype(
            jnp.float32)
        lae = jnp.max(jnp.where(g > 0.5, iota8, 0.0), axis=1, keepdims=True)
        bexp_ref[...] = jnp.minimum(bexp, lae).astype(jnp.int32)


def _route(x, gwt):
    nsteps = T // BT1
    return pl.pallas_call(
        _route_body,
        grid=(nsteps + 1,),
        in_specs=[
            pl.BlockSpec((BT1, D), lambda i: (jnp.minimum(i, nsteps - 1), 0)),
            pl.BlockSpec((D, EXP), lambda i: (0, 0)),
        ],
        out_specs=[
            pl.BlockSpec((BT1, EXP),
                         lambda i: (jnp.minimum(i, nsteps - 1), 0)),
            pl.BlockSpec((BT1, KTOP),
                         lambda i: (jnp.minimum(i, nsteps - 1), 0)),
            pl.BlockSpec((1, EXP), lambda i: (0, 0)),
            pl.BlockSpec((1, MAXBLK), lambda i: (0, 0)),
            pl.BlockSpec((1, 1), lambda i: (0, 0)),
            pl.BlockSpec((T, KTOP), lambda i: (0, 0)),
            pl.BlockSpec((T, 1), lambda i: (0, 0)),
            pl.BlockSpec((T, 1), lambda i: (0, 0)),
        ],
        out_shape=[
            jax.ShapeDtypeStruct((T, EXP), jnp.float32),
            jax.ShapeDtypeStruct((T, KTOP), jnp.float32),
            jax.ShapeDtypeStruct((1, EXP), jnp.int32),
            jax.ShapeDtypeStruct((1, MAXBLK), jnp.int32),
            jax.ShapeDtypeStruct((1, 1), jnp.int32),
            jax.ShapeDtypeStruct((T, KTOP), jnp.int32),
            jax.ShapeDtypeStruct((T, 1), jnp.int32),
            jax.ShapeDtypeStruct((T, 1), jnp.int32),
        ],
        scratch_shapes=[pltpu.VMEM((1, EXP), jnp.float32),
                        pltpu.VMEM((T, KTOP), jnp.int32),
                        pltpu.VMEM((T, KTOP), jnp.int32)],
        compiler_params=pltpu.CompilerParams(
            dimension_semantics=("arbitrary",)),
    )(x, gwt)



_PER_W = NA // NW
_CHD = 32
_CHG = 32


@functools.cache
def _make_dispatch():
    mesh = plsc.VectorSubcoreMesh(core_axis_name="c", subcore_axis_name="s")

    @functools.partial(
        pl.kernel,
        mesh=mesh,
        out_type=jax.ShapeDtypeStruct((MAXBLK * BT, D), jnp.float32),
        scratch_types=[
            pltpu.VMEM((4, _CHD), jnp.int32),
            pltpu.VMEM((4, _CHD), jnp.int32),
            pltpu.VMEM((_CHD, D), jnp.float32),
            pltpu.VMEM((_CHD, D), jnp.float32),
            pltpu.SemaphoreType.DMA,
            pltpu.SemaphoreType.DMA,
            pltpu.SemaphoreType.DMA,
            pltpu.SemaphoreType.DMA,
        ],
        compiler_params=pltpu.CompilerParams(needs_layout_passes=False),
    )
    def _dispatch(pos_hbm, tok_hbm, x_hbm, xs_hbm, p_v, t_v, rows_a, rows_b,
                  sga, sgb, ssa, ssb):
        wid = lax.axis_index("s") * NC + lax.axis_index("c")
        base = wid * _PER_W
        for c in range(4):
            pltpu.sync_copy(pos_hbm.at[pl.ds(base + c * _CHD, _CHD)],
                            p_v.at[c])
            pltpu.sync_copy(tok_hbm.at[pl.ds(base + c * _CHD, _CHD)],
                            t_v.at[c])
        ga = pltpu.async_copy(x_hbm.at[t_v.at[0]], rows_a, sga)
        gb = pltpu.async_copy(x_hbm.at[t_v.at[1]], rows_b, sgb)
        ga.wait()
        sa = pltpu.async_copy(rows_a, xs_hbm.at[p_v.at[0]], ssa)
        gb.wait()
        sb = pltpu.async_copy(rows_b, xs_hbm.at[p_v.at[1]], ssb)
        sa.wait()
        ga2 = pltpu.async_copy(x_hbm.at[t_v.at[2]], rows_a, sga)
        sb.wait()
        gb2 = pltpu.async_copy(x_hbm.at[t_v.at[3]], rows_b, sgb)
        ga2.wait()
        sa2 = pltpu.async_copy(rows_a, xs_hbm.at[p_v.at[2]], ssa)
        gb2.wait()
        sb2 = pltpu.async_copy(rows_b, xs_hbm.at[p_v.at[3]], ssb)
        sa2.wait()
        sb2.wait()

    return _dispatch



def _ffn_body(be_ref, na_ref, xs_ref, wg_ref, wu_ref, wd_ref, ys_ref):
    b = pl.program_id(0)

    @pl.when(b < na_ref[0])
    def _():
        x = xs_ref[...]
        g = jnp.dot(x, wg_ref[0], preferred_element_type=jnp.float32)
        u = jnp.dot(x, wu_ref[0], preferred_element_type=jnp.float32)
        h = g * (1.0 / (1.0 + jnp.exp(-g))) * u
        ys_ref[...] = jnp.dot(h, wd_ref[0], preferred_element_type=jnp.float32)


def _ffn(bexp, nact, xs, Wg, Wu, Wd):
    grid_spec = pltpu.PrefetchScalarGridSpec(
        num_scalar_prefetch=2,
        grid=(MAXBLK,),
        in_specs=[
            pl.BlockSpec((BT, D),
                         lambda b, be, na: (jnp.minimum(b, na[0] - 1), 0)),
            pl.BlockSpec((1, D, DFF), lambda b, be, na: (be[b], 0, 0)),
            pl.BlockSpec((1, D, DFF), lambda b, be, na: (be[b], 0, 0)),
            pl.BlockSpec((1, DFF, D), lambda b, be, na: (be[b], 0, 0)),
        ],
        out_specs=pl.BlockSpec((BT, D), lambda b, be, na: (b, 0)),
    )
    return pl.pallas_call(
        _ffn_body,
        grid_spec=grid_spec,
        out_shape=jax.ShapeDtypeStruct((MAXBLK * BT, D), jnp.float32),
        compiler_params=pltpu.CompilerParams(
            dimension_semantics=("arbitrary",)),
    )(bexp, nact, xs, Wg, Wu, Wd)



_TPW = T // NW


@functools.cache
def _make_gather2():
    mesh = plsc.VectorSubcoreMesh(core_axis_name="c", subcore_axis_name="s")

    @functools.partial(
        pl.kernel,
        mesh=mesh,
        out_type=(jax.ShapeDtypeStruct((T, D), jnp.float32),
                  jax.ShapeDtypeStruct((T, D), jnp.float32)),
        scratch_types=[
            pltpu.VMEM((_CHG,), jnp.int32),
            pltpu.VMEM((_CHG,), jnp.int32),
            pltpu.VMEM((_CHG, D), jnp.float32),
            pltpu.VMEM((_CHG, D), jnp.float32),
            pltpu.SemaphoreType.DMA,
            pltpu.SemaphoreType.DMA,
            pltpu.SemaphoreType.DMA,
            pltpu.SemaphoreType.DMA,
        ],
        compiler_params=pltpu.CompilerParams(needs_layout_passes=False),
    )
    def _gather2(p0_hbm, p1_hbm, ys_hbm, g0_hbm, g1_hbm,
                 pv0, pv1, buf0, buf1, s0, s1, sw0, sw1):
        wid = lax.axis_index("s") * NC + lax.axis_index("c")

        def chunk(c, carry):
            tb = wid * _TPW + c * _CHG
            pltpu.sync_copy(p0_hbm.at[pl.ds(tb, _CHG)], pv0)
            pltpu.sync_copy(p1_hbm.at[pl.ds(tb, _CHG)], pv1)
            cp0 = pltpu.async_copy(ys_hbm.at[pv0], buf0, s0)
            cp1 = pltpu.async_copy(ys_hbm.at[pv1], buf1, s1)
            cp0.wait()
            w0 = pltpu.async_copy(buf0, g0_hbm.at[pl.ds(tb, _CHG)], sw0)
            cp1.wait()
            w1 = pltpu.async_copy(buf1, g1_hbm.at[pl.ds(tb, _CHG)], sw1)
            w0.wait()
            w1.wait()
            return carry

        lax.fori_loop(0, _TPW // _CHG, chunk, 0)

    return _gather2



def _combine_body(g0_ref, g1_ref, w_ref, out_ref):
    w0 = w_ref[:, 0:1]
    w1 = w_ref[:, 1:2]
    out_ref[...] = (g0_ref[...].astype(jnp.float32) * w0
                    + g1_ref[...].astype(jnp.float32) * w1)


def _combine(g0, g1, wts):
    nsteps = T // BT1
    return pl.pallas_call(
        _combine_body,
        grid=(nsteps,),
        in_specs=[
            pl.BlockSpec((BT1, D), lambda i: (i, 0)),
            pl.BlockSpec((BT1, D), lambda i: (i, 0)),
            pl.BlockSpec((BT1, KTOP), lambda i: (i, 0)),
        ],
        out_specs=pl.BlockSpec((BT1, D), lambda i: (i, 0)),
        out_shape=jax.ShapeDtypeStruct((T, D), jnp.float32),
    )(g0, g1, wts)



def kernel(hidden_states, gate_w, Wg, Wu, Wd):
    bsz, seq, dim = hidden_states.shape
    x = hidden_states.reshape(-1, dim)
    (logits, wts, offp, bexp, nact,
     pos, p0c, p1c) = _route(x, gate_w.T)
    tok = jnp.repeat(jnp.arange(T, dtype=jnp.int32), KTOP)
    xs = _make_dispatch()(pos.reshape(-1), tok, x)
    ys = _ffn(bexp.reshape(-1), nact.reshape(-1), xs, Wg, Wu, Wd)
    g0, g1 = _make_gather2()(p0c.reshape(-1), p1c.reshape(-1), ys)
    out = _combine(g0, g1, wts)
    return out.reshape(bsz, seq, dim), logits

# --- scband reference (transcript-rebuilt; emitter-appended) ---
"""Pipeline reference for scband-prunable-olmoe-sparse-moe-block-wrapper-14748917694759 (READ-ONLY COPY).

The authoritative reference and input builder live on the scoring server;
editing this copy changes nothing except your own understanding.
"""

import jax, jax.numpy as jnp
import numpy as np

B, S, D = 1, 2048, 1024
E, TOPK, DFF = 8, 2, 1024

def setup_inputs(seed: int = 0) -> dict:
    key = jax.random.key(seed)
    k0, k1, k2, k3, k4 = jax.random.split(key, 5)
    hidden_states = jax.random.normal(k0, (B, S, D), dtype=jnp.float32)
    gate_w = jax.random.normal(k1, (E, D), dtype=jnp.float32) * 0.02  # router: Linear(D, E), weight [E, D]
    # per-expert SwiGLU MLP params (OlmoeMLP): gate_proj, up_proj: D->DFF ; down_proj: DFF->D
    Wg = jax.random.normal(k2, (E, D, DFF), dtype=jnp.float32) * 0.02
    Wu = jax.random.normal(k3, (E, D, DFF), dtype=jnp.float32) * 0.02
    Wd = jax.random.normal(k4, (E, DFF, D), dtype=jnp.float32) * 0.02
    return {"hidden_states": hidden_states, "gate_w": gate_w, "Wg": Wg, "Wu": Wu, "Wd": Wd}

def reference(hidden_states, gate_w, Wg, Wu, Wd):
    batch_size, sequence_length, hidden_dim = hidden_states.shape
    x = hidden_states.reshape(-1, hidden_dim)  # [T, D]
    T = x.shape[0]
    router_logits = x @ gate_w.T  # [T, E]
    routing_weights = jax.nn.softmax(router_logits.astype(jnp.float32), axis=1)
    top_k = min(TOPK, routing_weights.shape[-1])
    topv, topi = jax.lax.top_k(routing_weights, top_k)  # [T, k]
    # norm_topk_prob = True
    topv = topv / jnp.sum(topv, axis=-1, keepdims=True)
    topv = topv.astype(x.dtype)
    # combine weights: scatter per-token top-k weights into [T, E]
    combine = jnp.zeros((T, E), dtype=x.dtype).at[jnp.arange(T)[:, None], topi].add(topv)
    # run every expert on all tokens; tokens not routed to an expert get weight 0
    g = jnp.einsum('td,edf->etf', x, Wg)
    u = jnp.einsum('td,edf->etf', x, Wu)
    h = jax.nn.silu(g) * u
    y = jnp.einsum('etf,efd->etd', h, Wd)  # [E, T, D]
    final = jnp.einsum('te,etd->td', combine, y)
    final_hidden_states = final.reshape(batch_size, sequence_length, hidden_dim)
    return (final_hidden_states, router_logits)

if __name__ == "__main__":
    import jax
    _d = setup_inputs()
    print(jax.jit(kernel)(*tuple(_d.values())))

</pallas_src>

<mosaic_0001>
#map = affine_map<(d0, d1) -> (0)>
#map1 = affine_map<(d0, d1) -> (0, 0)>
module attributes {stable_mosaic.version = 14 : i64} {
  func.func @_gather2(%arg0: i32, %arg1: i32, %arg2: memref<2048xi32, #tpu.memory_space<hbm>>, %arg3: memref<2048xi32, #tpu.memory_space<hbm>>, %arg4: memref<5888x1024xf32, #tpu.memory_space<hbm>>, %arg5: memref<2048x1024xf32, #tpu.memory_space<hbm>>, %arg6: memref<2048x1024xf32, #tpu.memory_space<hbm>>, %arg7: memref<32xi32, #tpu.memory_space<vmem>>, %arg8: memref<32xi32, #tpu.memory_space<vmem>>, %arg9: memref<32x1024xf32, #tpu.memory_space<vmem>>, %arg10: memref<32x1024xf32, #tpu.memory_space<vmem>>, %arg11: memref<!tpu.dma_semaphore, #tpu.memory_space<semaphore_mem>>, %arg12: memref<!tpu.dma_semaphore, #tpu.memory_space<semaphore_mem>>, %arg13: memref<!tpu.dma_semaphore, #tpu.memory_space<semaphore_mem>>, %arg14: memref<!tpu.dma_semaphore, #tpu.memory_space<semaphore_mem>>) attributes {dimension_semantics = [#tpu.dimension_semantics<core_parallel>, #tpu.dimension_semantics<subcore_parallel>], iteration_bounds = array<i64: 2, 16>, scalar_prefetch = 0 : i64, scratch_operands = 8 : i64, tpu.core_type = #tpu.core_type<sc_vector_subcore>, window_params = [{transform_indices = #map}, {transform_indices = #map}, {transform_indices = #map1}, {transform_indices = #map1}, {transform_indices = #map1}]} {
    %mul3A = arith.constant 2 : i32
    %mul3A_0 = arith.muli %arg1, %mul3A : i32
    %add3A = arith.addi %mul3A_0, %arg0 : i32
    %scan3A = arith.constant 0 : i32
    %scan3A_1 = arith.constant 0 : i32
    %scan3A_2 = arith.constant 2 : i32
    %scan3A_3 = arith.addi %scan3A_1, %scan3A_2 : i32
    %scan3A_4 = arith.constant 1 : i32
    scf.for %scan3A_6 = %scan3A_1 to %scan3A_3 step %scan3A_4  : i32 {
      %mul3A_7 = arith.constant 64 : i32
      %mul3A_8 = arith.muli %add3A, %mul3A_7 : i32
      %mul3A_9 = arith.constant 32 : i32
      %mul3A_10 = arith.muli %scan3A_6, %mul3A_9 : i32
      %add3A_11 = arith.addi %mul3A_8, %mul3A_10 : i32
      "tpu.region"() ({
        %run_scoped3A = tpu.sem_alloc : memref<!tpu.dma_semaphore, #tpu.memory_space<semaphore_mem>>
        %dma_start3A_38 = tpu.memref_slice %arg2[%add3A_11] : memref<2048xi32, #tpu.memory_space<hbm>> -> memref<32xi32, #tpu.memory_space<hbm>>
        %dma_start3A_39 = tpu.memref_slice %arg2[%add3A_11] : memref<2048xi32, #tpu.memory_space<hbm>> -> memref<32xi32, #tpu.memory_space<hbm>>
        tpu.enqueue_dma source(%dma_start3A_39 : memref<32xi32, #tpu.memory_space<hbm>>) target(%arg7 : memref<32xi32, #tpu.memory_space<vmem>>) target_semaphore(%run_scoped3A : memref<!tpu.dma_semaphore, #tpu.memory_space<semaphore_mem>>)
        %dma_wait3A_40 = tpu.memref_slice %arg2[%add3A_11] : memref<2048xi32, #tpu.memory_space<hbm>> -> memref<32xi32, #tpu.memory_space<hbm>>
        %dma_wait3A_41 = tpu.memref_slice %arg2[%add3A_11] : memref<2048xi32, #tpu.memory_space<hbm>> -> memref<32xi32, #tpu.memory_space<hbm>>
        tpu.wait_dma2 semaphore(%run_scoped3A : memref<!tpu.dma_semaphore, #tpu.memory_space<semaphore_mem>>) src(%dma_wait3A_41 : memref<32xi32, #tpu.memory_space<hbm>>) dst(%arg7 : memref<32xi32, #tpu.memory_space<vmem>>)
        tpu.yield
      }) : () -> ()
      "tpu.region"() ({
        %run_scoped3A = tpu.sem_alloc : memref<!tpu.dma_semaphore, #tpu.memory_space<semaphore_mem>>
        %dma_start3A_38 = tpu.memref_slice %arg3[%add3A_11] : memref<2048xi32, #tpu.memory_space<hbm>> -> memref<32xi32, #tpu.memory_space<hbm>>
        %dma_start3A_39 = tpu.memref_slice %arg3[%add3A_11] : memref<2048xi32, #tpu.memory_space<hbm>> -> memref<32xi32, #tpu.memory_space<hbm>>
        tpu.enqueue_dma source(%dma_start3A_39 : memref<32xi32, #tpu.memory_space<hbm>>) target(%arg8 : memref<32xi32, #tpu.memory_space<vmem>>) target_semaphore(%run_scoped3A : memref<!tpu.dma_semaphore, #tpu.memory_space<semaphore_mem>>)
        %dma_wait3A_40 = tpu.memref_slice %arg3[%add3A_11] : memref<2048xi32, #tpu.memory_space<hbm>> -> memref<32xi32, #tpu.memory_space<hbm>>
        %dma_wait3A_41 = tpu.memref_slice %arg3[%add3A_11] : memref<2048xi32, #tpu.memory_space<hbm>> -> memref<32xi32, #tpu.memory_space<hbm>>
        tpu.wait_dma2 semaphore(%run_scoped3A : memref<!tpu.dma_semaphore, #tpu.memory_space<semaphore_mem>>) src(%dma_wait3A_41 : memref<32xi32, #tpu.memory_space<hbm>>) dst(%arg8 : memref<32xi32, #tpu.memory_space<vmem>>)
        tpu.yield
      }) : () -> ()
      %dma_start3A = arith.constant 0 : i32
      %dma_start3A_12 = arith.constant 0 : i32
      %dma_start3A_13 = tpu.memref_slice %arg4[%dma_start3A, %dma_start3A_12] : memref<5888x1024xf32, #tpu.memory_space<hbm>> -> memref<5888x1024xf32, #tpu.memory_space<hbm>>
      tpu.enqueue_indirect_dma source(%dma_start3A_13 : memref<5888x1024xf32, #tpu.memory_space<hbm>>) target(%arg9 : memref<32x1024xf32, #tpu.memory_space<vmem>>) offsets(%arg7 : memref<32xi32, #tpu.memory_space<vmem>>) semaphore(%arg11 : memref<!tpu.dma_semaphore, #tpu.memory_space<semaphore_mem>>)
      %dma_start3A_14 = arith.constant 0 : i32
      %dma_start3A_15 = arith.constant 0 : i32
      %dma_start3A_16 = tpu.memref_slice %arg4[%dma_start3A_14, %dma_start3A_15] : memref<5888x1024xf32, #tpu.memory_space<hbm>> -> memref<5888x1024xf32, #tpu.memory_space<hbm>>
      tpu.enqueue_indirect_dma source(%dma_start3A_16 : memref<5888x1024xf32, #tpu.memory_space<hbm>>) target(%arg10 : memref<32x1024xf32, #tpu.memory_space<vmem>>) offsets(%arg8 : memref<32xi32, #tpu.memory_space<vmem>>) semaphore(%arg12 : memref<!tpu.dma_semaphore, #tpu.memory_space<semaphore_mem>>)
      %dma_wait3A = arith.constant 0 : i32
      %dma_wait3A_17 = arith.constant 0 : i32
      %dma_wait3A_18 = tpu.memref_slice %arg4[%dma_wait3A, %dma_wait3A_17] : memref<5888x1024xf32, #tpu.memory_space<hbm>> -> memref<5888x1024xf32, #tpu.memory_space<hbm>>
      tpu.wait_indirect_dma semaphore(%arg11 : memref<!tpu.dma_semaphore, #tpu.memory_space<semaphore_mem>>) src(%dma_wait3A_18 : memref<5888x1024xf32, #tpu.memory_space<hbm>>) dst(%arg9 : memref<32x1024xf32, #tpu.memory_space<vmem>>)
      %dma_start3A_19 = arith.constant 0 : i32
      %dma_start3A_20 = tpu.memref_slice %arg5[%add3A_11, %dma_start3A_19] : memref<2048x1024xf32, #tpu.memory_space<hbm>> -> memref<32x1024xf32, #tpu.memory_space<hbm>>
      %dma_start3A_21 = arith.constant 0 : i32
      %dma_start3A_22 = tpu.memref_slice %arg5[%add3A_11, %dma_start3A_21] : memref<2048x1024xf32, #tpu.memory_space<hbm>> -> memref<32x1024xf32, #tpu.memory_space<hbm>>
      tpu.enqueue_dma source(%arg9 : memref<32x1024xf32, #tpu.memory_space<vmem>>) target(%dma_start3A_22 : memref<32x1024xf32, #tpu.memory_space<hbm>>) target_semaphore(%arg13 : memref<!tpu.dma_semaphore, #tpu.memory_space<semaphore_mem>>)
      %dma_wait3A_23 = arith.constant 0 : i32
      %dma_wait3A_24 = arith.constant 0 : i32
      %dma_wait3A_25 = tpu.memref_slice %arg4[%dma_wait3A_23, %dma_wait3A_24] : memref<5888x1024xf32, #tpu.memory_space<hbm>> -> memref<5888x1024xf32, #tpu.memory_space<hbm>>
      tpu.wait_indirect_dma semaphore(%arg12 : memref<!tpu.dma_semaphore, #tpu.memory_space<semaphore_mem>>) src(%dma_wait3A_25 : memref<5888x1024xf32, #tpu.memory_space<hbm>>) dst(%arg10 : memref<32x1024xf32, #tpu.memory_space<vmem>>)
      %dma_start3A_26 = arith.constant 0 : i32
      %dma_start3A_27 = tpu.memref_slice %arg6[%add3A_11, %dma_start3A_26] : memref<2048x1024xf32, #tpu.memory_space<hbm>> -> memref<32x1024xf32, #tpu.memory_space<hbm>>
      %dma_start3A_28 = arith.constant 0 : i32
      %dma_start3A_29 = tpu.memref_slice %arg6[%add3A_11, %dma_start3A_28] : memref<2048x1024xf32, #tpu.memory_space<hbm>> -> memref<32x1024xf32, #tpu.memory_space<hbm>>
      tpu.enqueue_dma source(%arg10 : memref<32x1024xf32, #tpu.memory_space<vmem>>) target(%dma_start3A_29 : memref<32x1024xf32, #tpu.memory_space<hbm>>) target_semaphore(%arg14 : memref<!tpu.dma_semaphore, #tpu.memory_space<semaphore_mem>>)
      %dma_wait3A_30 = arith.constant 0 : i32
      %dma_wait3A_31 = tpu.memref_slice %arg5[%add3A_11, %dma_wait3A_30] : memref<2048x1024xf32, #tpu.memory_space<hbm>> -> memref<32x1024xf32, #tpu.memory_space<hbm>>
      %dma_wait3A_32 = arith.constant 0 : i32
      %dma_wait3A_33 = tpu.memref_slice %arg5[%add3A_11, %dma_wait3A_32] : memref<2048x1024xf32, #tpu.memory_space<hbm>> -> memref<32x1024xf32, #tpu.memory_space<hbm>>
      tpu.wait_dma2 semaphore(%arg13 : memref<!tpu.dma_semaphore, #tpu.memory_space<semaphore_mem>>) src(%arg9 : memref<32x1024xf32, #tpu.memory_space<vmem>>) dst(%dma_wait3A_33 : memref<32x1024xf32, #tpu.memory_space<hbm>>)
      %dma_wait3A_34 = arith.constant 0 : i32
      %dma_wait3A_35 = tpu.memref_slice %arg6[%add3A_11, %dma_wait3A_34] : memref<2048x1024xf32, #tpu.memory_space<hbm>> -> memref<32x1024xf32, #tpu.memory_space<hbm>>
      %dma_wait3A_36 = arith.constant 0 : i32
      %dma_wait3A_37 = tpu.memref_slice %arg6[%add3A_11, %dma_wait3A_36] : memref<2048x1024xf32, #tpu.memory_space<hbm>> -> memref<32x1024xf32, #tpu.memory_space<hbm>>
      tpu.wait_dma2 semaphore(%arg14 : memref<!tpu.dma_semaphore, #tpu.memory_space<semaphore_mem>>) src(%arg10 : memref<32x1024xf32, #tpu.memory_space<vmem>>) dst(%dma_wait3A_37 : memref<32x1024xf32, #tpu.memory_space<hbm>>)
    }
    %scan3A_5 = arith.constant 2 : i32
    return
  }
}

#map = affine_map<(d0, d1) -> (0)>
#map1 = affine_map<(d0, d1) -> (0, 0)>
module attributes {stable_mosaic.version = 14 : i64} {
  func.func @_dispatch(%arg0: i32, %arg1: i32, %arg2: memref<4096xi32, #tpu.memory_space<hbm>>, %arg3: memref<4096xi32, #tpu.memory_space<hbm>>, %arg4: memref<2048x1024xf32, #tpu.memory_space<hbm>>, %arg5: memref<5888x1024xf32, #tpu.memory_space<hbm>>, %arg6: memref<4x32xi32, #tpu.memory_space<vmem>>, %arg7: memref<4x32xi32, #tpu.memory_space<vmem>>, %arg8: memref<32x1024xf32, #tpu.memory_space<vmem>>, %arg9: memref<32x1024xf32, #tpu.memory_space<vmem>>, %arg10: memref<!tpu.dma_semaphore, #tpu.memory_space<semaphore_mem>>, %arg11: memref<!tpu.dma_semaphore, #tpu.memory_space<semaphore_mem>>, %arg12: memref<!tpu.dma_semaphore, #tpu.memory_space<semaphore_mem>>, %arg13: memref<!tpu.dma_semaphore, #tpu.memory_space<semaphore_mem>>) attributes {dimension_semantics = [#tpu.dimension_semantics<core_parallel>, #tpu.dimension_semantics<subcore_parallel>], iteration_bounds = array<i64: 2, 16>, scalar_prefetch = 0 : i64, scratch_operands = 8 : i64, tpu.core_type = #tpu.core_type<sc_vector_subcore>, window_params = [{transform_indices = #map}, {transform_indices = #map}, {transform_indices = #map1}, {transform_indices = #map1}]} {
    %mul3A = arith.constant 2 : i32
    %mul3A_0 = arith.muli %arg1, %mul3A : i32
    %add3A = arith.addi %mul3A_0, %arg0 : i32
    %mul3A_1 = arith.constant 128 : i32
    %mul3A_2 = arith.muli %add3A, %mul3A_1 : i32
    %add3A_3 = arith.constant 0 : i32
    %add3A_4 = arith.addi %mul3A_2, %add3A_3 : i32
    %run_scoped3A = arith.constant 0 : i32
    "tpu.region"() ({
      %run_scoped3A_136 = tpu.sem_alloc : memref<!tpu.dma_semaphore, #tpu.memory_space<semaphore_mem>>
      %dma_start3A_137 = arith.constant 0 : i32
      %dma_start3A_138 = tpu.memref_slice %arg6[%run_scoped3A, %dma_start3A_137] : memref<4x32xi32, #tpu.memory_space<vmem>> -> memref<1x32xi32, #tpu.memory_space<vmem>>
      %dma_start3A_139 = tpu.memref_squeeze %dma_start3A_138 : memref<1x32xi32, #tpu.memory_space<vmem>> -> memref<32xi32, #tpu.memory_space<vmem>>
      %dma_start3A_140 = tpu.memref_slice %arg2[%add3A_4] : memref<4096xi32, #tpu.memory_space<hbm>> -> memref<32xi32, #tpu.memory_space<hbm>>
      %dma_start3A_141 = arith.constant 0 : i32
      %dma_start3A_142 = tpu.memref_slice %arg6[%run_scoped3A, %dma_start3A_141] : memref<4x32xi32, #tpu.memory_space<vmem>> -> memref<1x32xi32, #tpu.memory_space<vmem>>
      %dma_start3A_143 = tpu.memref_squeeze %dma_start3A_142 : memref<1x32xi32, #tpu.memory_space<vmem>> -> memref<32xi32, #tpu.memory_space<vmem>>
      %dma_start3A_144 = tpu.memref_slice %arg2[%add3A_4] : memref<4096xi32, #tpu.memory_space<hbm>> -> memref<32xi32, #tpu.memory_space<hbm>>
      tpu.enqueue_dma source(%dma_start3A_144 : memref<32xi32, #tpu.memory_space<hbm>>) target(%dma_start3A_143 : memref<32xi32, #tpu.memory_space<vmem>>) target_semaphore(%run_scoped3A_136 : memref<!tpu.dma_semaphore, #tpu.memory_space<semaphore_mem>>)
      %dma_wait3A_145 = arith.constant 0 : i32
      %dma_wait3A_146 = tpu.memref_slice %arg6[%run_scoped3A, %dma_wait3A_145] : memref<4x32xi32, #tpu.memory_space<vmem>> -> memref<1x32xi32, #tpu.memory_space<vmem>>
      %dma_wait3A_147 = tpu.memref_squeeze %dma_wait3A_146 : memref<1x32xi32, #tpu.memory_space<vmem>> -> memref<32xi32, #tpu.memory_space<vmem>>
      %dma_wait3A_148 = tpu.memref_slice %arg2[%add3A_4] : memref<4096xi32, #tpu.memory_space<hbm>> -> memref<32xi32, #tpu.memory_space<hbm>>
      %dma_wait3A_149 = arith.constant 0 : i32
      %dma_wait3A_150 = tpu.memref_slice %arg6[%run_scoped3A, %dma_wait3A_149] : memref<4x32xi32, #tpu.memory_space<vmem>> -> memref<1x32xi32, #tpu.memory_space<vmem>>
      %dma_wait3A_151 = tpu.memref_squeeze %dma_wait3A_150 : memref<1x32xi32, #tpu.memory_space<vmem>> -> memref<32xi32, #tpu.memory_space<vmem>>
      %dma_wait3A_152 = tpu.memref_slice %arg2[%add3A_4] : memref<4096xi32, #tpu.memory_space<hbm>> -> memref<32xi32, #tpu.memory_space<hbm>>
      tpu.wait_dma2 semaphore(%run_scoped3A_136 : memref<!tpu.dma_semaphore, #tpu.memory_space<semaphore_mem>>) src(%dma_wait3A_152 : memref<32xi32, #tpu.memory_space<hbm>>) dst(%dma_wait3A_151 : memref<32xi32, #tpu.memory_space<vmem>>)
      tpu.yield
    }) : () -> ()
    %add3A_5 = arith.constant 0 : i32
    %add3A_6 = arith.addi %mul3A_2, %add3A_5 : i32
    %run_scoped3A_7 = arith.constant 0 : i32
    "tpu.region"() ({
      %run_scoped3A_136 = tpu.sem_alloc : memref<!tpu.dma_semaphore, #tpu.memory_space<semaphore_mem>>
      %dma_start3A_137 = arith.constant 0 : i32
      %dma_start3A_138 = tpu.memref_slice %arg7[%run_scoped3A_7, %dma_start3A_137] : memref<4x32xi32, #tpu.memory_space<vmem>> -> memref<1x32xi32, #tpu.memory_space<vmem>>
      %dma_start3A_139 = tpu.memref_squeeze %dma_start3A_138 : memref<1x32xi32, #tpu.memory_space<vmem>> -> memref<32xi32, #tpu.memory_space<vmem>>
      %dma_start3A_140 = tpu.memref_slice %arg3[%add3A_6] : memref<4096xi32, #tpu.memory_space<hbm>> -> memref<32xi32, #tpu.memory_space<hbm>>
      %dma_start3A_141 = arith.constant 0 : i32
      %dma_start3A_142 = tpu.memref_slice %arg7[%run_scoped3A_7, %dma_start3A_141] : memref<4x32xi32, #tpu.memory_space<vmem>> -> memref<1x32xi32, #tpu.memory_space<vmem>>
      %dma_start3A_143 = tpu.memref_squeeze %dma_start3A_142 : memref<1x32xi32, #tpu.memory_space<vmem>> -> memref<32xi32, #tpu.memory_space<vmem>>
      %dma_start3A_144 = tpu.memref_slice %arg3[%add3A_6] : memref<4096xi32, #tpu.memory_space<hbm>> -> memref<32xi32, #tpu.memory_space<hbm>>
      tpu.enqueue_dma source(%dma_start3A_144 : memref<32xi32, #tpu.memory_space<hbm>>) target(%dma_start3A_143 : memref<32xi32, #tpu.memory_space<vmem>>) target_semaphore(%run_scoped3A_136 : memref<!tpu.dma_semaphore, #tpu.memory_space<semaphore_mem>>)
      %dma_wait3A_145 = arith.constant 0 : i32
      %dma_wait3A_146 = tpu.memref_slice %arg7[%run_scoped3A_7, %dma_wait3A_145] : memref<4x32xi32, #tpu.memory_space<vmem>> -> memref<1x32xi32, #tpu.memory_space<vmem>>
      %dma_wait3A_147 = tpu.memref_squeeze %dma_wait3A_146 : memref<1x32xi32, #tpu.memory_space<vmem>> -> memref<32xi32, #tpu.memory_space<vmem>>
      %dma_wait3A_148 = tpu.memref_slice %arg3[%add3A_6] : memref<4096xi32, #tpu.memory_space<hbm>> -> memref<32xi32, #tpu.memory_space<hbm>>
      %dma_wait3A_149 = arith.constant 0 : i32
      %dma_wait3A_150 = tpu.memref_slice %arg7[%run_scoped3A_7, %dma_wait3A_149] : memref<4x32xi32, #tpu.memory_space<vmem>> -> memref<1x32xi32, #tpu.memory_space<vmem>>
      %dma_wait3A_151 = tpu.memref_squeeze %dma_wait3A_150 : memref<1x32xi32, #tpu.memory_space<vmem>> -> memref<32xi32, #tpu.memory_space<vmem>>
      %dma_wait3A_152 = tpu.memref_slice %arg3[%add3A_6] : memref<4096xi32, #tpu.memory_space<hbm>> -> memref<32xi32, #tpu.memory_space<hbm>>
      tpu.wait_dma2 semaphore(%run_scoped3A_136 : memref<!tpu.dma_semaphore, #tpu.memory_space<semaphore_mem>>) src(%dma_wait3A_152 : memref<32xi32, #tpu.memory_space<hbm>>) dst(%dma_wait3A_151 : memref<32xi32, #tpu.memory_space<vmem>>)
      tpu.yield
    }) : () -> ()
    %add3A_8 = arith.constant 32 : i32
    %add3A_9 = arith.addi %mul3A_2, %add3A_8 : i32
    %run_scoped3A_10 = arith.constant 1 : i32
    "tpu.region"() ({
      %run_scoped3A_136 = tpu.sem_alloc : memref<!tpu.dma_semaphore, #tpu.memory_space<semaphore_mem>>
      %dma_start3A_137 = arith.constant 0 : i32
      %dma_start3A_138 = tpu.memref_slice %arg6[%run_scoped3A_10, %dma_start3A_137] : memref<4x32xi32, #tpu.memory_space<vmem>> -> memref<1x32xi32, #tpu.memory_space<vmem>>
      %dma_start3A_139 = tpu.memref_squeeze %dma_start3A_138 : memref<1x32xi32, #tpu.memory_space<vmem>> -> memref<32xi32, #tpu.memory_space<vmem>>
      %dma_start3A_140 = tpu.memref_slice %arg2[%add3A_9] : memref<4096xi32, #tpu.memory_space<hbm>> -> memref<32xi32, #tpu.memory_space<hbm>>
      %dma_start3A_141 = arith.constant 0 : i32
      %dma_start3A_142 = tpu.memref_slice %arg6[%run_scoped3A_10, %dma_start3A_141] : memref<4x32xi32, #tpu.memory_space<vmem>> -> memref<1x32xi32, #tpu.memory_space<vmem>>
      %dma_start3A_143 = tpu.memref_squeeze %dma_start3A_142 : memref<1x32xi32, #tpu.memory_space<vmem>> -> memref<32xi32, #tpu.memory_space<vmem>>
      %dma_start3A_144 = tpu.memref_slice %arg2[%add3A_9] : memref<4096xi32, #tpu.memory_space<hbm>> -> memref<32xi32, #tpu.memory_space<hbm>>
      tpu.enqueue_dma source(%dma_start3A_144 : memref<32xi32, #tpu.memory_space<hbm>>) target(%dma_start3A_143 : memref<32xi32, #tpu.memory_space<vmem>>) target_semaphore(%run_scoped3A_136 : memref<!tpu.dma_semaphore, #tpu.memory_space<semaphore_mem>>)
      %dma_wait3A_145 = arith.constant 0 : i32
      %dma_wait3A_146 = tpu.memref_slice %arg6[%run_scoped3A_10, %dma_wait3A_145] : memref<4x32xi32, #tpu.memory_space<vmem>> -> memref<1x32xi32, #tpu.memory_space<vmem>>
      %dma_wait3A_147 = tpu.memref_squeeze %dma_wait3A_146 : memref<1x32xi32, #tpu.memory_space<vmem>> -> memref<32xi32, #tpu.memory_space<vmem>>
      %dma_wait3A_148 = tpu.memref_slice %arg2[%add3A_9] : memref<4096xi32, #tpu.memory_space<hbm>> -> memref<32xi32, #tpu.memory_space<hbm>>
      %dma_wait3A_149 = arith.constant 0 : i32
      %dma_wait3A_150 = tpu.memref_slice %arg6[%run_scoped3A_10, %dma_wait3A_149] : memref<4x32xi32, #tpu.memory_space<vmem>> -> memref<1x32xi32, #tpu.memory_space<vmem>>
      %dma_wait3A_151 = tpu.memref_squeeze %dma_wait3A_150 : memref<1x32xi32, #tpu.memory_space<vmem>> -> memref<32xi32, #tpu.memory_space<vmem>>
      %dma_wait3A_152 = tpu.memref_slice %arg2[%add3A_9] : memref<4096xi32, #tpu.memory_space<hbm>> -> memref<32xi32, #tpu.memory_space<hbm>>
      tpu.wait_dma2 semaphore(%run_scoped3A_136 : memref<!tpu.dma_semaphore, #tpu.memory_space<semaphore_mem>>) src(%dma_wait3A_152 : memref<32xi32, #tpu.memory_space<hbm>>) dst(%dma_wait3A_151 : memref<32xi32, #tpu.memory_space<vmem>>)
      tpu.yield
    }) : () -> ()
    %add3A_11 = arith.constant 32 : i32
    %add3A_12 = arith.addi %mul3A_2, %add3A_11 : i32
    %run_scoped3A_13 = arith.constant 1 : i32
    "tpu.region"() ({
      %run_scoped3A_136 = tpu.sem_alloc : memref<!tpu.dma_semaphore, #tpu.memory_space<semaphore_mem>>
      %dma_start3A_137 = arith.constant 0 : i32
      %dma_start3A_138 = tpu.memref_slice %arg7[%run_scoped3A_13, %dma_start3A_137] : memref<4x32xi32, #tpu.memory_space<vmem>> -> memref<1x32xi32, #tpu.memory_space<vmem>>
      %dma_start3A_139 = tpu.memref_squeeze %dma_start3A_138 : memref<1x32xi32, #tpu.memory_space<vmem>> -> memref<32xi32, #tpu.memory_space<vmem>>
      %dma_start3A_140 = tpu.memref_slice %arg3[%add3A_12] : memref<4096xi32, #tpu.memory_space<hbm>> -> memref<32xi32, #tpu.memory_space<hbm>>
      %dma_start3A_141 = arith.constant 0 : i32
      %dma_start3A_142 = tpu.memref_slice %arg7[%run_scoped3A_13, %dma_start3A_141] : memref<4x32xi32, #tpu.memory_space<vmem>> -> memref<1x32xi32, #tpu.memory_space<vmem>>
      %dma_start3A_143 = tpu.memref_squeeze %dma_start3A_142 : memref<1x32xi32, #tpu.memory_space<vmem>> -> memref<32xi32, #tpu.memory_space<vmem>>
      %dma_start3A_144 = tpu.memref_slice %arg3[%add3A_12] : memref<4096xi32, #tpu.memory_space<hbm>> -> memref<32xi32, #tpu.memory_space<hbm>>
      tpu.enqueue_dma source(%dma_start3A_144 : memref<32xi32, #tpu.memory_space<hbm>>) target(%dma_start3A_143 : memref<32xi32, #tpu.memory_space<vmem>>) target_semaphore(%run_scoped3A_136 : memref<!tpu.dma_semaphore, #tpu.memory_space<semaphore_mem>>)
      %dma_wait3A_145 = arith.constant 0 : i32
      %dma_wait3A_146 = tpu.memref_slice %arg7[%run_scoped3A_13, %dma_wait3A_145] : memref<4x32xi32, #tpu.memory_space<vmem>> -> memref<1x32xi32, #tpu.memory_space<vmem>>
      %dma_wait3A_147 = tpu.memref_squeeze %dma_wait3A_146 : memref<1x32xi32, #tpu.memory_space<vmem>> -> memref<32xi32, #tpu.memory_space<vmem>>
      %dma_wait3A_148 = tpu.memref_slice %arg3[%add3A_12] : memref<4096xi32, #tpu.memory_space<hbm>> -> memref<32xi32, #tpu.memory_space<hbm>>
      %dma_wait3A_149 = arith.constant 0 : i32
      %dma_wait3A_150 = tpu.memref_slice %arg7[%run_scoped3A_13, %dma_wait3A_149] : memref<4x32xi32, #tpu.memory_space<vmem>> -> memref<1x32xi32, #tpu.memory_space<vmem>>
      %dma_wait3A_151 = tpu.memref_squeeze %dma_wait3A_150 : memref<1x32xi32, #tpu.memory_space<vmem>> -> memref<32xi32, #tpu.memory_space<vmem>>
      %dma_wait3A_152 = tpu.memref_slice %arg3[%add3A_12] : memref<4096xi32, #tpu.memory_space<hbm>> -> memref<32xi32, #tpu.memory_space<hbm>>
      tpu.wait_dma2 semaphore(%run_scoped3A_136 : memref<!tpu.dma_semaphore, #tpu.memory_space<semaphore_mem>>) src(%dma_wait3A_152 : memref<32xi32, #tpu.memory_space<hbm>>) dst(%dma_wait3A_151 : memref<32xi32, #tpu.memory_space<vmem>>)
      tpu.yield
    }) : () -> ()
    %add3A_14 = arith.constant 64 : i32
    %add3A_15 = arith.addi %mul3A_2, %add3A_14 : i32
    %run_scoped3A_16 = arith.constant 2 : i32
    "tpu.region"() ({
      %run_scoped3A_136 = tpu.sem_alloc : memref<!tpu.dma_semaphore, #tpu.memory_space<semaphore_mem>>
      %dma_start3A_137 = arith.constant 0 : i32
      %dma_start3A_138 = tpu.memref_slice %arg6[%run_scoped3A_16, %dma_start3A_137] : memref<4x32xi32, #tpu.memory_space<vmem>> -> memref<1x32xi32, #tpu.memory_space<vmem>>
      %dma_start3A_139 = tpu.memref_squeeze %dma_start3A_138 : memref<1x32xi32, #tpu.memory_space<vmem>> -> memref<32xi32, #tpu.memory_space<vmem>>
      %dma_start3A_140 = tpu.memref_slice %arg2[%add3A_15] : memref<4096xi32, #tpu.memory_space<hbm>> -> memref<32xi32, #tpu.memory_space<hbm>>
      %dma_start3A_141 = arith.constant 0 : i32
      %dma_start3A_142 = tpu.memref_slice %arg6[%run_scoped3A_16, %dma_start3A_141] : memref<4x32xi32, #tpu.memory_space<vmem>> -> memref<1x32xi32, #tpu.memory_space<vmem>>
      %dma_start3A_143 = tpu.memref_squeeze %dma_start3A_142 : memref<1x32xi32, #tpu.memory_space<vmem>> -> memref<32xi32, #tpu.memory_space<vmem>>
      %dma_start3A_144 = tpu.memref_slice %arg2[%add3A_15] : memref<4096xi32, #tpu.memory_space<hbm>> -> memref<32xi32, #tpu.memory_space<hbm>>
      tpu.enqueue_dma source(%dma_start3A_144 : memref<32xi32, #tpu.memory_space<hbm>>) target(%dma_start3A_143 : memref<32xi32, #tpu.memory_space<vmem>>) target_semaphore(%run_scoped3A_136 : memref<!tpu.dma_semaphore, #tpu.memory_space<semaphore_mem>>)
      %dma_wait3A_145 = arith.constant 0 : i32
      %dma_wait3A_146 = tpu.memref_slice %arg6[%run_scoped3A_16, %dma_wait3A_145] : memref<4x32xi32, #tpu.memory_space<vmem>> -> memref<1x32xi32, #tpu.memory_space<vmem>>
      %dma_wait3A_147 = tpu.memref_squeeze %dma_wait3A_146 : memref<1x32xi32, #tpu.memory_space<vmem>> -> memref<32xi32, #tpu.memory_space<vmem>>
      %dma_wait3A_148 = tpu.memref_slice %arg2[%add3A_15] : memref<4096xi32, #tpu.memory_space<hbm>> -> memref<32xi32, #tpu.memory_space<hbm>>
      %dma_wait3A_149 = arith.constant 0 : i32
      %dma_wait3A_150 = tpu.memref_slice %arg6[%run_scoped3A_16, %dma_wait3A_149] : memref<4x32xi32, #tpu.memory_space<vmem>> -> memref<1x32xi32, #tpu.memory_space<vmem>>
      %dma_wait3A_151 = tpu.memref_squeeze %dma_wait3A_150 : memref<1x32xi32, #tpu.memory_space<vmem>> -> memref<32xi32, #tpu.memory_space<vmem>>
      %dma_wait3A_152 = tpu.memref_slice %arg2[%add3A_15] : memref<4096xi32, #tpu.memory_space<hbm>> -> memref<32xi32, #tpu.memory_space<hbm>>
      tpu.wait_dma2 semaphore(%run_scoped3A_136 : memref<!tpu.dma_semaphore, #tpu.memory_space<semaphore_mem>>) src(%dma_wait3A_152 : memref<32xi32, #tpu.memory_space<hbm>>) dst(%dma_wait3A_151 : memref<32xi32, #tpu.memory_space<vmem>>)
      tpu.yield
    }) : () -> ()
    %add3A_17 = arith.constant 64 : i32
    %add3A_18 = arith.addi %mul3A_2, %add3A_17 : i32
    %run_scoped3A_19 = arith.constant 2 : i32
    "tpu.region"() ({
      %run_scoped3A_136 = tpu.sem_alloc : memref<!tpu.dma_semaphore, #tpu.memory_space<semaphore_mem>>
      %dma_start3A_137 = arith.constant 0 : i32
      %dma_start3A_138 = tpu.memref_slice %arg7[%run_scoped3A_19, %dma_start3A_137] : memref<4x32xi32, #tpu.memory_space<vmem>> -> memref<1x32xi32, #tpu.memory_space<vmem>>
      %dma_start3A_139 = tpu.memref_squeeze %dma_start3A_138 : memref<1x32xi32, #tpu.memory_space<vmem>> -> memref<32xi32, #tpu.memory_space<vmem>>
      %dma_start3A_140 = tpu.memref_slice %arg3[%add3A_18] : memref<4096xi32, #tpu.memory_space<hbm>> -> memref<32xi32, #tpu.memory_space<hbm>>
      %dma_start3A_141 = arith.constant 0 : i32
      %dma_start3A_142 = tpu.memref_slice %arg7[%run_scoped3A_19, %dma_start3A_141] : memref<4x32xi32, #tpu.memory_space<vmem>> -> memref<1x32xi32, #tpu.memory_space<vmem>>
      %dma_start3A_143 = tpu.memref_squeeze %dma_start3A_142 : memref<1x32xi32, #tpu.memory_space<vmem>> -> memref<32xi32, #tpu.memory_space<vmem>>
      %dma_start3A_144 = tpu.memref_slice %arg3[%add3A_18] : memref<4096xi32, #tpu.memory_space<hbm>> -> memref<32xi32, #tpu.memory_space<hbm>>
      tpu.enqueue_dma source(%dma_start3A_144 : memref<32xi32, #tpu.memory_space<hbm>>) target(%dma_start3A_143 : memref<32xi32, #tpu.memory_space<vmem>>) target_semaphore(%run_scoped3A_136 : memref<!tpu.dma_semaphore, #tpu.memory_space<semaphore_mem>>)
      %dma_wait3A_145 = arith.constant 0 : i32
      %dma_wait3A_146 = tpu.memref_slice %arg7[%run_scoped3A_19, %dma_wait3A_145] : memref<4x32xi32, #tpu.memory_space<vmem>> -> memref<1x32xi32, #tpu.memory_space<vmem>>
      %dma_wait3A_147 = tpu.memref_squeeze %dma_wait3A_146 : memref<1x32xi32, #tpu.memory_space<vmem>> -> memref<32xi32, #tpu.memory_space<vmem>>
      %dma_wait3A_148 = tpu.memref_slice %arg3[%add3A_18] : memref<4096xi32, #tpu.memory_space<hbm>> -> memref<32xi32, #tpu.memory_space<hbm>>
      %dma_wait3A_149 = arith.constant 0 : i32
      %dma_wait3A_150 = tpu.memref_slice %arg7[%run_scoped3A_19, %dma_wait3A_149] : memref<4x32xi32, #tpu.memory_space<vmem>> -> memref<1x32xi32, #tpu.memory_space<vmem>>
      %dma_wait3A_151 = tpu.memref_squeeze %dma_wait3A_150 : memref<1x32xi32, #tpu.memory_space<vmem>> -> memref<32xi32, #tpu.memory_space<vmem>>
      %dma_wait3A_152 = tpu.memref_slice %arg3[%add3A_18] : memref<4096xi32, #tpu.memory_space<hbm>> -> memref<32xi32, #tpu.memory_space<hbm>>
      tpu.wait_dma2 semaphore(%run_scoped3A_136 : memref<!tpu.dma_semaphore, #tpu.memory_space<semaphore_mem>>) src(%dma_wait3A_152 : memref<32xi32, #tpu.memory_space<hbm>>) dst(%dma_wait3A_151 : memref<32xi32, #tpu.memory_space<vmem>>)
      tpu.yield
    }) : () -> ()
    %add3A_20 = arith.constant 96 : i32
    %add3A_21 = arith.addi %mul3A_2, %add3A_20 : i32
    %run_scoped3A_22 = arith.constant 3 : i32
    "tpu.region"() ({
      %run_scoped3A_136 = tpu.sem_alloc : memref<!tpu.dma_semaphore, #tpu.memory_space<semaphore_mem>>
      %dma_start3A_137 = arith.constant 0 : i32
      %dma_start3A_138 = tpu.memref_slice %arg6[%run_scoped3A_22, %dma_start3A_137] : memref<4x32xi32, #tpu.memory_space<vmem>> -> memref<1x32xi32, #tpu.memory_space<vmem>>
      %dma_start3A_139 = tpu.memref_squeeze %dma_start3A_138 : memref<1x32xi32, #tpu.memory_space<vmem>> -> memref<32xi32, #tpu.memory_space<vmem>>
      %dma_start3A_140 = tpu.memref_slice %arg2[%add3A_21] : memref<4096xi32, #tpu.memory_space<hbm>> -> memref<32xi32, #tpu.memory_space<hbm>>
      %dma_start3A_141 = arith.constant 0 : i32
      %dma_start3A_142 = tpu.memref_slice %arg6[%run_scoped3A_22, %dma_start3A_141] : memref<4x32xi32, #tpu.memory_space<vmem>> -> memref<1x32xi32, #tpu.memory_space<vmem>>
      %dma_start3A_143 = tpu.memref_squeeze %dma_start3A_142 : memref<1x32xi32, #tpu.memory_space<vmem>> -> memref<32xi32, #tpu.memory_space<vmem>>
      %dma_start3A_144 = tpu.memref_slice %arg2[%add3A_21] : memref<4096xi32, #tpu.memory_space<hbm>> -> memref<32xi32, #tpu.memory_space<hbm>>
      tpu.enqueue_dma source(%dma_start3A_144 : memref<32xi32, #tpu.memory_space<hbm>>) target(%dma_start3A_143 : memref<32xi32, #tpu.memory_space<vmem>>) target_semaphore(%run_scoped3A_136 : memref<!tpu.dma_semaphore, #tpu.memory_space<semaphore_mem>>)
      %dma_wait3A_145 = arith.constant 0 : i32
      %dma_wait3A_146 = tpu.memref_slice %arg6[%run_scoped3A_22, %dma_wait3A_145] : memref<4x32xi32, #tpu.memory_space<vmem>> -> memref<1x32xi32, #tpu.memory_space<vmem>>
      %dma_wait3A_147 = tpu.memref_squeeze %dma_wait3A_146 : memref<1x32xi32, #tpu.memory_space<vmem>> -> memref<32xi32, #tpu.memory_space<vmem>>
      %dma_wait3A_148 = tpu.memref_slice %arg2[%add3A_21] : memref<4096xi32, #tpu.memory_space<hbm>> -> memref<32xi32, #tpu.memory_space<hbm>>
      %dma_wait3A_149 = arith.constant 0 : i32
      %dma_wait3A_150 = tpu.memref_slice %arg6[%run_scoped3A_22, %dma_wait3A_149] : memref<4x32xi32, #tpu.memory_space<vmem>> -> memref<1x32xi32, #tpu.memory_space<vmem>>
      %dma_wait3A_151 = tpu.memref_squeeze %dma_wait3A_150 : memref<1x32xi32, #tpu.memory_space<vmem>> -> memref<32xi32, #tpu.memory_space<vmem>>
      %dma_wait3A_152 = tpu.memref_slice %arg2[%add3A_21] : memref<4096xi32, #tpu.memory_space<hbm>> -> memref<32xi32, #tpu.memory_space<hbm>>
      tpu.wait_dma2 semaphore(%run_scoped3A_136 : memref<!tpu.dma_semaphore, #tpu.memory_space<semaphore_mem>>) src(%dma_wait3A_152 : memref<32xi32, #tpu.memory_space<hbm>>) dst(%dma_wait3A_151 : memref<32xi32, #tpu.memory_space<vmem>>)
      tpu.yield
    }) : () -> ()
    %add3A_23 = arith.constant 96 : i32
    %add3A_24 = arith.addi %mul3A_2, %add3A_23 : i32
    %run_scoped3A_25 = arith.constant 3 : i32
    "tpu.region"() ({
      %run_scoped3A_136 = tpu.sem_alloc : memref<!tpu.dma_semaphore, #tpu.memory_space<semaphore_mem>>
      %dma_start3A_137 = arith.constant 0 : i32
      %dma_start3A_138 = tpu.memref_slice %arg7[%run_scoped3A_25, %dma_start3A_137] : memref<4x32xi32, #tpu.memory_space<vmem>> -> memref<1x32xi32, #tpu.memory_space<vmem>>
      %dma_start3A_139 = tpu.memref_squeeze %dma_start3A_138 : memref<1x32xi32, #tpu.memory_space<vmem>> -> memref<32xi32, #tpu.memory_space<vmem>>
      %dma_start3A_140 = tpu.memref_slice %arg3[%add3A_24] : memref<4096xi32, #tpu.memory_space<hbm>> -> memref<32xi32, #tpu.memory_space<hbm>>
      %dma_start3A_141 = arith.constant 0 : i32
      %dma_start3A_142 = tpu.memref_slice %arg7[%run_scoped3A_25, %dma_start3A_141] : memref<4x32xi32, #tpu.memory_space<vmem>> -> memref<1x32xi32, #tpu.memory_space<vmem>>
      %dma_start3A_143 = tpu.memref_squeeze %dma_start3A_142 : memref<1x32xi32, #tpu.memory_space<vmem>> -> memref<32xi32, #tpu.memory_space<vmem>>
      %dma_start3A_144 = tpu.memref_slice %arg3[%add3A_24] : memref<4096xi32, #tpu.memory_space<hbm>> -> memref<32xi32, #tpu.memory_space<hbm>>
      tpu.enqueue_dma source(%dma_start3A_144 : memref<32xi32, #tpu.memory_space<hbm>>) target(%dma_start3A_143 : memref<32xi32, #tpu.memory_space<vmem>>) target_semaphore(%run_scoped3A_136 : memref<!tpu.dma_semaphore, #tpu.memory_space<semaphore_mem>>)
      %dma_wait3A_145 = arith.constant 0 : i32
      %dma_wait3A_146 = tpu.memref_slice %arg7[%run_scoped3A_25, %dma_wait3A_145] : memref<4x32xi32, #tpu.memory_space<vmem>> -> memref<1x32xi32, #tpu.memory_space<vmem>>
      %dma_wait3A_147 = tpu.memref_squeeze %dma_wait3A_146 : memref<1x32xi32, #tpu.memory_space<vmem>> -> memref<32xi32, #tpu.memory_space<vmem>>
      %dma_wait3A_148 = tpu.memref_slice %arg3[%add3A_24] : memref<4096xi32, #tpu.memory_space<hbm>> -> memref<32xi32, #tpu.memory_space<hbm>>
      %dma_wait3A_149 = arith.constant 0 : i32
      %dma_wait3A_150 = tpu.memref_slice %arg7[%run_scoped3A_25, %dma_wait3A_149] : memref<4x32xi32, #tpu.memory_space<vmem>> -> memref<1x32xi32, #tpu.memory_space<vmem>>
      %dma_wait3A_151 = tpu.memref_squeeze %dma_wait3A_150 : memref<1x32xi32, #tpu.memory_space<vmem>> -> memref<32xi32, #tpu.memory_space<vmem>>
      %dma_wait3A_152 = tpu.memref_slice %arg3[%add3A_24] : memref<4096xi32, #tpu.memory_space<hbm>> -> memref<32xi32, #tpu.memory_space<hbm>>
      tpu.wait_dma2 semaphore(%run_scoped3A_136 : memref<!tpu.dma_semaphore, #tpu.memory_space<semaphore_mem>>) src(%dma_wait3A_152 : memref<32xi32, #tpu.memory_space<hbm>>) dst(%dma_wait3A_151 : memref<32xi32, #tpu.memory_space<vmem>>)
      tpu.yield
    }) : () -> ()
    %dma_start3A = arith.constant 0 : i32
    %dma_start3A_26 = arith.constant 0 : i32
    %dma_start3A_27 = tpu.memref_slice %arg7[%dma_start3A, %dma_start3A_26] : memref<4x32xi32, #tpu.memory_space<vmem>> -> memref<1x32xi32, #tpu.memory_space<vmem>>
    %dma_start3A_28 = tpu.memref_squeeze %dma_start3A_27 : memref<1x32xi32, #tpu.memory_space<vmem>> -> memref<32xi32, #tpu.memory_space<vmem>>
    %dma_start3A_29 = arith.constant 0 : i32
    %dma_start3A_30 = arith.constant 0 : i32
    %dma_start3A_31 = tpu.memref_slice %arg4[%dma_start3A_29, %dma_start3A_30] : memref<2048x1024xf32, #tpu.memory_space<hbm>> -> memref<2048x1024xf32, #tpu.memory_space<hbm>>
    tpu.enqueue_indirect_dma source(%dma_start3A_31 : memref<2048x1024xf32, #tpu.memory_space<hbm>>) target(%arg8 : memref<32x1024xf32, #tpu.memory_space<vmem>>) offsets(%dma_start3A_28 : memref<32xi32, #tpu.memory_space<vmem>>) semaphore(%arg10 : memref<!tpu.dma_semaphore, #tpu.memory_space<semaphore_mem>>)
    %dma_start3A_32 = arith.constant 1 : i32
    %dma_start3A_33 = arith.constant 0 : i32
    %dma_start3A_34 = tpu.memref_slice %arg7[%dma_start3A_32, %dma_start3A_33] : memref<4x32xi32, #tpu.memory_space<vmem>> -> memref<1x32xi32, #tpu.memory_space<vmem>>
    %dma_start3A_35 = tpu.memref_squeeze %dma_start3A_34 : memref<1x32xi32, #tpu.memory_space<vmem>> -> memref<32xi32, #tpu.memory_space<vmem>>
    %dma_start3A_36 = arith.constant 0 : i32
    %dma_start3A_37 = arith.constant 0 : i32
    %dma_start3A_38 = tpu.memref_slice %arg4[%dma_start3A_36, %dma_start3A_37] : memref<2048x1024xf32, #tpu.memory_space<hbm>> -> memref<2048x1024xf32, #tpu.memory_space<hbm>>
    tpu.enqueue_indirect_dma source(%dma_start3A_38 : memref<2048x1024xf32, #tpu.memory_space<hbm>>) target(%arg9 : memref<32x1024xf32, #tpu.memory_space<vmem>>) offsets(%dma_start3A_35 : memref<32xi32, #tpu.memory_space<vmem>>) semaphore(%arg11 : memref<!tpu.dma_semaphore, #tpu.memory_space<semaphore_mem>>)
    %dma_wait3A = arith.constant 0 : i32
    %dma_wait3A_39 = arith.constant 0 : i32
    %dma_wait3A_40 = tpu.memref_slice %arg7[%dma_wait3A, %dma_wait3A_39] : memref<4x32xi32, #tpu.memory_space<vmem>> -> memref<1x32xi32, #tpu.memory_space<vmem>>
    %dma_wait3A_41 = tpu.memref_squeeze %dma_wait3A_40 : memref<1x32xi32, #tpu.memory_space<vmem>> -> memref<32xi32, #tpu.memory_space<vmem>>
    %dma_wait3A_42 = arith.constant 0 : i32
    %dma_wait3A_43 = arith.constant 0 : i32
    %dma_wait3A_44 = tpu.memref_slice %arg4[%dma_wait3A_42, %dma_wait3A_43] : memref<2048x1024xf32, #tpu.memory_space<hbm>> -> memref<2048x1024xf32, #tpu.memory_space<hbm>>
    tpu.wait_indirect_dma semaphore(%arg10 : memref<!tpu.dma_semaphore, #tpu.memory_space<semaphore_mem>>) src(%dma_wait3A_44 : memref<2048x1024xf32, #tpu.memory_space<hbm>>) dst(%arg8 : memref<32x1024xf32, #tpu.memory_space<vmem>>)
    %dma_start3A_45 = arith.constant 0 : i32
    %dma_start3A_46 = arith.constant 0 : i32
    %dma_start3A_47 = tpu.memref_slice %arg6[%dma_start3A_45, %dma_start3A_46] : memref<4x32xi32, #tpu.memory_space<vmem>> -> memref<1x32xi32, #tpu.memory_space<vmem>>
    %dma_start3A_48 = tpu.memref_squeeze %dma_start3A_47 : memref<1x32xi32, #tpu.memory_space<vmem>> -> memref<32xi32, #tpu.memory_space<vmem>>
    %dma_start3A_49 = arith.constant 0 : i32
    %dma_start3A_50 = arith.constant 0 : i32
    %dma_start3A_51 = tpu.memref_slice %arg5[%dma_start3A_49, %dma_start3A_50] : memref<5888x1024xf32, #tpu.memory_space<hbm>> -> memref<5888x1024xf32, #tpu.memory_space<hbm>>
    tpu.enqueue_indirect_dma source(%arg8 : memref<32x1024xf32, #tpu.memory_space<vmem>>) target(%dma_start3A_51 : memref<5888x1024xf32, #tpu.memory_space<hbm>>) offsets(%dma_start3A_48 : memref<32xi32, #tpu.memory_space<vmem>>) semaphore(%arg12 : memref<!tpu.dma_semaphore, #tpu.memory_space<semaphore_mem>>)
    %dma_wait3A_52 = arith.constant 1 : i32
    %dma_wait3A_53 = arith.constant 0 : i32
    %dma_wait3A_54 = tpu.memref_slice %arg7[%dma_wait3A_52, %dma_wait3A_53] : memref<4x32xi32, #tpu.memory_space<vmem>> -> memref<1x32xi32, #tpu.memory_space<vmem>>
    %dma_wait3A_55 = tpu.memref_squeeze %dma_wait3A_54 : memref<1x32xi32, #tpu.memory_space<vmem>> -> memref<32xi32, #tpu.memory_space<vmem>>
    %dma_wait3A_56 = arith.constant 0 : i32
    %dma_wait3A_57 = arith.constant 0 : i32
    %dma_wait3A_58 = tpu.memref_slice %arg4[%dma_wait3A_56, %dma_wait3A_57] : memref<2048x1024xf32, #tpu.memory_space<hbm>> -> memref<2048x1024xf32, #tpu.memory_space<hbm>>
    tpu.wait_indirect_dma semaphore(%arg11 : memref<!tpu.dma_semaphore, #tpu.memory_space<semaphore_mem>>) src(%dma_wait3A_58 : memref<2048x1024xf32, #tpu.memory_space<hbm>>) dst(%arg9 : memref<32x1024xf32, #tpu.memory_space<vmem>>)
    %dma_start3A_59 = arith.constant 1 : i32
    %dma_start3A_60 = arith.constant 0 : i32
    %dma_start3A_61 = tpu.memref_slice %arg6[%dma_start3A_59, %dma_start3A_60] : memref<4x32xi32, #tpu.memory_space<vmem>> -> memref<1x32xi32, #tpu.memory_space<vmem>>
    %dma_start3A_62 = tpu.memref_squeeze %dma_start3A_61 : memref<1x32xi32, #tpu.memory_space<vmem>> -> memref<32xi32, #tpu.memory_space<vmem>>
    %dma_start3A_63 = arith.constant 0 : i32
    %dma_start3A_64 = arith.constant 0 : i32
    %dma_start3A_65 = tpu.memref_slice %arg5[%dma_start3A_63, %dma_start3A_64] : memref<5888x1024xf32, #tpu.memory_space<hbm>> -> memref<5888x1024xf32, #tpu.memory_space<hbm>>
    tpu.enqueue_indirect_dma source(%arg9 : memref<32x1024xf32, #tpu.memory_space<vmem>>) target(%dma_start3A_65 : memref<5888x1024xf32, #tpu.memory_space<hbm>>) offsets(%dma_start3A_62 : memref<32xi32, #tpu.memory_space<vmem>>) semaphore(%arg13 : memref<!tpu.dma_semaphore, #tpu.memory_space<semaphore_mem>>)
    %dma_wait3A_66 = arith.constant 0 : i32
    %dma_wait3A_67 = arith.constant 0 : i32
    %dma_wait3A_68 = tpu.memref_slice %arg6[%dma_wait3A_66, %dma_wait3A_67] : memref<4x32xi32, #tpu.memory_space<vmem>> -> memref<1x32xi32, #tpu.memory_space<vmem>>
    %dma_wait3A_69 = tpu.memref_squeeze %dma_wait3A_68 : memref<1x32xi32, #tpu.memory_space<vmem>> -> memref<32xi32, #tpu.memory_space<vmem>>
    %dma_wait3A_70 = arith.constant 0 : i32
    %dma_wait3A_71 = arith.constant 0 : i32
    %dma_wait3A_72 = tpu.memref_slice %arg5[%dma_wait3A_70, %dma_wait3A_71] : memref<5888x1024xf32, #tpu.memory_space<hbm>> -> memref<5888x1024xf32, #tpu.memory_space<hbm>>
    tpu.wait_indirect_dma semaphore(%arg12 : memref<!tpu.dma_semaphore, #tpu.memory_space<semaphore_mem>>) src(%arg8 : memref<32x1024xf32, #tpu.memory_space<vmem>>) dst(%dma_wait3A_72 : memref<5888x1024xf32, #tpu.memory_space<hbm>>)
    %dma_start3A_73 = arith.constant 2 : i32
    %dma_start3A_74 = arith.constant 0 : i32
    %dma_start3A_75 = tpu.memref_slice %arg7[%dma_start3A_73, %dma_start3A_74] : memref<4x32xi32, #tpu.memory_space<vmem>> -> memref<1x32xi32, #tpu.memory_space<vmem>>
    %dma_start3A_76 = tpu.memref_squeeze %dma_start3A_75 : memref<1x32xi32, #tpu.memory_space<vmem>> -> memref<32xi32, #tpu.memory_space<vmem>>
    %dma_start3A_77 = arith.constant 0 : i32
    %dma_start3A_78 = arith.constant 0 : i32
    %dma_start3A_79 = tpu.memref_slice %arg4[%dma_start3A_77, %dma_start3A_78] : memref<2048x1024xf32, #tpu.memory_space<hbm>> -> memref<2048x1024xf32, #tpu.memory_space<hbm>>
    tpu.enqueue_indirect_dma source(%dma_start3A_79 : memref<2048x1024xf32, #tpu.memory_space<hbm>>) target(%arg8 : memref<32x1024xf32, #tpu.memory_space<vmem>>) offsets(%dma_start3A_76 : memref<32xi32, #tpu.memory_space<vmem>>) semaphore(%arg10 : memref<!tpu.dma_semaphore, #tpu.memory_space<semaphore_mem>>)
    %dma_wait3A_80 = arith.constant 1 : i32
    %dma_wait3A_81 = arith.constant 0 : i32
    %dma_wait3A_82 = tpu.memref_slice %arg6[%dma_wait3A_80, %dma_wait3A_81] : memref<4x32xi32, #tpu.memory_space<vmem>> -> memref<1x32xi32, #tpu.memory_space<vmem>>
    %dma_wait3A_83 = tpu.memref_squeeze %dma_wait3A_82 : memref<1x32xi32, #tpu.memory_space<vmem>> -> memref<32xi32, #tpu.memory_space<vmem>>
    %dma_wait3A_84 = arith.constant 0 : i32
    %dma_wait3A_85 = arith.constant 0 : i32
    %dma_wait3A_86 = tpu.memref_slice %arg5[%dma_wait3A_84, %dma_wait3A_85] : memref<5888x1024xf32, #tpu.memory_space<hbm>> -> memref<5888x1024xf32, #tpu.memory_space<hbm>>
    tpu.wait_indirect_dma semaphore(%arg13 : memref<!tpu.dma_semaphore, #tpu.memory_space<semaphore_mem>>) src(%arg9 : memref<32x1024xf32, #tpu.memory_space<vmem>>) dst(%dma_wait3A_86 : memref<5888x1024xf32, #tpu.memory_space<hbm>>)
    %dma_start3A_87 = arith.constant 3 : i32
    %dma_start3A_88 = arith.constant 0 : i32
    %dma_start3A_89 = tpu.memref_slice %arg7[%dma_start3A_87, %dma_start3A_88] : memref<4x32xi32, #tpu.memory_space<vmem>> -> memref<1x32xi32, #tpu.memory_space<vmem>>
    %dma_start3A_90 = tpu.memref_squeeze %dma_start3A_89 : memref<1x32xi32, #tpu.memory_space<vmem>> -> memref<32xi32, #tpu.memory_space<vmem>>
    %dma_start3A_91 = arith.constant 0 : i32
    %dma_start3A_92 = arith.constant 0 : i32
    %dma_start3A_93 = tpu.memref_slice %arg4[%dma_start3A_91, %dma_start3A_92] : memref<2048x1024xf32, #tpu.memory_space<hbm>> -> memref<2048x1024xf32, #tpu.memory_space<hbm>>
    tpu.enqueue_indirect_dma source(%dma_start3A_93 : memref<2048x1024xf32, #tpu.memory_space<hbm>>) target(%arg9 : memref<32x1024xf32, #tpu.memory_space<vmem>>) offsets(%dma_start3A_90 : memref<32xi32, #tpu.memory_space<vmem>>) semaphore(%arg11 : memref<!tpu.dma_semaphore, #tpu.memory_space<semaphore_mem>>)
    %dma_wait3A_94 = arith.constant 2 : i32
    %dma_wait3A_95 = arith.constant 0 : i32
    %dma_wait3A_96 = tpu.memref_slice %arg7[%dma_wait3A_94, %dma_wait3A_95] : memref<4x32xi32, #tpu.memory_space<vmem>> -> memref<1x32xi32, #tpu.memory_space<vmem>>
    %dma_wait3A_97 = tpu.memref_squeeze %dma_wait3A_96 : memref<1x32xi32, #tpu.memory_space<vmem>> -> memref<32xi32, #tpu.memory_space<vmem>>
    %dma_wait3A_98 = arith.constant 0 : i32
    %dma_wait3A_99 = arith.constant 0 : i32
    %dma_wait3A_100 = tpu.memref_slice %arg4[%dma_wait3A_98, %dma_wait3A_99] : memref<2048x1024xf32, #tpu.memory_space<hbm>> -> memref<2048x1024xf32, #tpu.memory_space<hbm>>
    tpu.wait_indirect_dma semaphore(%arg10 : memref<!tpu.dma_semaphore, #tpu.memory_space<semaphore_mem>>) src(%dma_wait3A_100 : memref<2048x1024xf32, #tpu.memory_space<hbm>>) dst(%arg8 : memref<32x1024xf32, #tpu.memory_space<vmem>>)
    %dma_start3A_101 = arith.constant 2 : i32
    %dma_start3A_102 = arith.constant 0 : i32
    %dma_start3A_103 = tpu.memref_slice %arg6[%dma_start3A_101, %dma_start3A_102] : memref<4x32xi32, #tpu.memory_space<vmem>> -> memref<1x32xi32, #tpu.memory_space<vmem>>
    %dma_start3A_104 = tpu.memref_squeeze %dma_start3A_103 : memref<1x32xi32, #tpu.memory_space<vmem>> -> memref<32xi32, #tpu.memory_space<vmem>>
    %dma_start3A_105 = arith.constant 0 : i32
    %dma_start3A_106 = arith.constant 0 : i32
    %dma_start3A_107 = tpu.memref_slice %arg5[%dma_start3A_105, %dma_start3A_106] : memref<5888x1024xf32, #tpu.memory_space<hbm>> -> memref<5888x1024xf32, #tpu.memory_space<hbm>>
    tpu.enqueue_indirect_dma source(%arg8 : memref<32x1024xf32, #tpu.memory_space<vmem>>) target(%dma_start3A_107 : memref<5888x1024xf32, #tpu.memory_space<hbm>>) offsets(%dma_start3A_104 : memref<32xi32, #tpu.memory_space<vmem>>) semaphore(%arg12 : memref<!tpu.dma_semaphore, #tpu.memory_space<semaphore_mem>>)
    %dma_wait3A_108 = arith.constant 3 : i32
    %dma_wait3A_109 = arith.constant 0 : i32
    %dma_wait3A_110 = tpu.memref_slice %arg7[%dma_wait3A_108, %dma_wait3A_109] : memref<4x32xi32, #tpu.memory_space<vmem>> -> memref<1x32xi32, #tpu.memory_space<vmem>>
    %dma_wait3A_111 = tpu.memref_squeeze %dma_wait3A_110 : memref<1x32xi32, #tpu.memory_space<vmem>> -> memref<32xi32, #tpu.memory_space<vmem>>
    %dma_wait3A_112 = arith.constant 0 : i32
    %dma_wait3A_113 = arith.constant 0 : i32
    %dma_wait3A_114 = tpu.memref_slice %arg4[%dma_wait3A_112, %dma_wait3A_113] : memref<2048x1024xf32, #tpu.memory_space<hbm>> -> memref<2048x1024xf32, #tpu.memory_space<hbm>>
    tpu.wait_indirect_dma semaphore(%arg11 : memref<!tpu.dma_semaphore, #tpu.memory_space<semaphore_mem>>) src(%dma_wait3A_114 : memref<2048x1024xf32, #tpu.memory_space<hbm>>) dst(%arg9 : memref<32x1024xf32, #tpu.memory_space<vmem>>)
    %dma_start3A_115 = arith.constant 3 : i32
    %dma_start3A_116 = arith.constant 0 : i32
    %dma_start3A_117 = tpu.memref_slice %arg6[%dma_start3A_115, %dma_start3A_116] : memref<4x32xi32, #tpu.memory_space<vmem>> -> memref<1x32xi32, #tpu.memory_space<vmem>>
    %dma_start3A_118 = tpu.memref_squeeze %dma_start3A_117 : memref<1x32xi32, #tpu.memory_space<vmem>> -> memref<32xi32, #tpu.memory_space<vmem>>
    %dma_start3A_119 = arith.constant 0 : i32
    %dma_start3A_120 = arith.constant 0 : i32
    %dma_start3A_121 = tpu.memref_slice %arg5[%dma_start3A_119, %dma_start3A_120] : memref<5888x1024xf32, #tpu.memory_space<hbm>> -> memref<5888x1024xf32, #tpu.memory_space<hbm>>
    tpu.enqueue_indirect_dma source(%arg9 : memref<32x1024xf32, #tpu.memory_space<vmem>>) target(%dma_start3A_121 : memref<5888x1024xf32, #tpu.memory_space<hbm>>) offsets(%dma_start3A_118 : memref<32xi32, #tpu.memory_space<vmem>>) semaphore(%arg13 : memref<!tpu.dma_semaphore, #tpu.memory_space<semaphore_mem>>)
    %dma_wait3A_122 = arith.constant 2 : i32
    %dma_wait3A_123 = arith.constant 0 : i32
    %dma_wait3A_124 = tpu.memref_slice %arg6[%dma_wait3A_122, %dma_wait3A_123] : memref<4x32xi32, #tpu.memory_space<vmem>> -> memref<1x32xi32, #tpu.memory_space<vmem>>
    %dma_wait3A_125 = tpu.memref_squeeze %dma_wait3A_124 : memref<1x32xi32, #tpu.memory_space<vmem>> -> memref<32xi32, #tpu.memory_space<vmem>>
    %dma_wait3A_126 = arith.constant 0 : i32
    %dma_wait3A_127 = arith.constant 0 : i32
    %dma_wait3A_128 = tpu.memref_slice %arg5[%dma_wait3A_126, %dma_wait3A_127] : memref<5888x1024xf32, #tpu.memory_space<hbm>> -> memref<5888x1024xf32, #tpu.memory_space<hbm>>
    tpu.wait_indirect_dma semaphore(%arg12 : memref<!tpu.dma_semaphore, #tpu.memory_space<semaphore_mem>>) src(%arg8 : memref<32x1024xf32, #tpu.memory_space<vmem>>) dst(%dma_wait3A_128 : memref<5888x1024xf32, #tpu.memory_space<hbm>>)
    %dma_wait3A_129 = arith.constant 3 : i32
    %dma_wait3A_130 = arith.constant 0 : i32
    %dma_wait3A_131 = tpu.memref_slice %arg6[%dma_wait3A_129, %dma_wait3A_130] : memref<4x32xi32, #tpu.memory_space<vmem>> -> memref<1x32xi32, #tpu.memory_space<vmem>>
    %dma_wait3A_132 = tpu.memref_squeeze %dma_wait3A_131 : memref<1x32xi32, #tpu.memory_space<vmem>> -> memref<32xi32, #tpu.memory_space<vmem>>
    %dma_wait3A_133 = arith.constant 0 : i32
    %dma_wait3A_134 = arith.constant 0 : i32
    %dma_wait3A_135 = tpu.memref_slice %arg5[%dma_wait3A_133, %dma_wait3A_134] : memref<5888x1024xf32, #tpu.memory_space<hbm>> -> memref<5888x1024xf32, #tpu.memory_space<hbm>>
    tpu.wait_indirect_dma semaphore(%arg13 : memref<!tpu.dma_semaphore, #tpu.memory_space<semaphore_mem>>) src(%arg9 : memref<32x1024xf32, #tpu.memory_space<vmem>>) dst(%dma_wait3A_135 : memref<5888x1024xf32, #tpu.memory_space<hbm>>)
    return
  }
}

module attributes {stable_mosaic.version = 14 : i64} {
  func.func @_route_body(%arg0: i32, %arg1: memref<512x1024xf32, #tpu.memory_space<vmem>>, %arg2: memref<1024x8xf32, #tpu.memory_space<vmem>>, %arg3: memref<512x8xf32, #tpu.memory_space<vmem>>, %arg4: memref<512x2xf32, #tpu.memory_space<vmem>>, %arg5: memref<1x8xi32, #tpu.memory_space<vmem>>, %arg6: memref<1x23xi32, #tpu.memory_space<vmem>>, %arg7: memref<1x1xi32, #tpu.memory_space<vmem>>, %arg8: memref<2048x2xi32, #tpu.memory_space<vmem>>, %arg9: memref<2048x1xi32, #tpu.memory_space<vmem>>, %arg10: memref<2048x1xi32, #tpu.memory_space<vmem>>, %arg11: memref<1x8xf32, #tpu.memory_space<vmem>>, %arg12: memref<2048x2xi32, #tpu.memory_space<vmem>>, %arg13: memref<2048x2xi32, #tpu.memory_space<vmem>>) attributes {dimension_semantics = [#tpu.dimension_semantics<arbitrary>], iteration_bounds = array<i64: 5>, scalar_prefetch = 0 : i64, scratch_operands = 3 : i64, tpu.core_type = #tpu.core_type<tc>, window_params = [{transform_indices = @transform_0, window_bounds = array<i64: 512, 1024>}, {pipeline_mode = #tpu.pipeline_mode<synchronous>, transform_indices = @transform_1, window_bounds = array<i64: 1024, 8>}, {transform_indices = @transform_2, window_bounds = array<i64: 512, 8>}, {transform_indices = @transform_3, window_bounds = array<i64: 512, 2>}, {pipeline_mode = #tpu.pipeline_mode<synchronous>, transform_indices = @transform_4, window_bounds = array<i64: 1, 8>}, {pipeline_mode = #tpu.pipeline_mode<synchronous>, transform_indices = @transform_5, window_bounds = array<i64: 1, 23>}, {pipeline_mode = #tpu.pipeline_mode<synchronous>, transform_indices = @transform_6, window_bounds = array<i64: 1, 1>}, {pipeline_mode = #tpu.pipeline_mode<synchronous>, transform_indices = @transform_7, window_bounds = array<i64: 2048, 2>}, {pipeline_mode = #tpu.pipeline_mode<synchronous>, transform_indices = @transform_8, window_bounds = array<i64: 2048, 1>}, {pipeline_mode = #tpu.pipeline_mode<synchronous>, transform_indices = @transform_9, window_bounds = array<i64: 2048, 1>}]} {
    %eq3A = arith.constant 0 : i32
    %eq3A_0 = arith.cmpi eq, %arg0, %eq3A : i32
    %convert_element_type3A = arith.extui %eq3A_0 : i1 to i32
    %cond3A = arith.constant 0 : i32
    %cond3A_1 = arith.cmpi ne, %convert_element_type3A, %cond3A : i32
    scf.if %cond3A_1 {
      %broadcast_in_dim3A = arith.constant 0.000000e+00 : f32
      %broadcast_in_dim3A_11 = vector.broadcast %broadcast_in_dim3A : f32 to vector<1x8xf32>
      %swap3A = arith.constant 0 : index
      %swap3A_12 = arith.constant 0 : index
      %swap3A_13 = vector.load %arg11[%swap3A, %swap3A_12] : memref<1x8xf32, #tpu.memory_space<vmem>>, vector<1x8xf32>
      tpu.vector_store %arg11[%swap3A, %swap3A_12], %broadcast_in_dim3A_11 {strides = array<i32>} : memref<1x8xf32, #tpu.memory_space<vmem>>, vector<1x8xf32>,
    } else {
    }
    %eq3A_2 = arith.constant 4 : i32
    %eq3A_3 = arith.cmpi eq, %arg0, %eq3A_2 : i32
    %convert_element_type3A_4 = arith.extui %eq3A_3 : i1 to i32
    %cond3A_5 = arith.constant 0 : i32
    %cond3A_6 = arith.cmpi ne, %convert_element_type3A_4, %cond3A_5 : i32
    scf.if %cond3A_6 {
      %get3A = arith.constant 0 : index
      %get3A_11 = arith.constant 0 : index
      %get3A_12 = vector.load %arg12[%get3A, %get3A_11] : memref<2048x2xi32, #tpu.memory_space<vmem>>, vector<2048x2xi32>
      %get3A_13 = arith.constant 0 : index
      %get3A_14 = arith.constant 0 : index
      %get3A_15 = vector.load %arg13[%get3A_13, %get3A_14] : memref<2048x2xi32, #tpu.memory_space<vmem>>, vector<2048x2xi32>
      %get3A_16 = arith.constant 0 : index
      %get3A_17 = arith.constant 0 : index
      %get3A_18 = vector.load %arg5[%get3A_16, %get3A_17] : memref<1x8xi32, #tpu.memory_space<vmem>>, vector<1x8xi32>
      %eq3A_19 = arith.constant 0 : i32
      %eq3A_20 = vector.broadcast %eq3A_19 : i32 to vector<2048x2xi32>
      %eq3A_21 = arith.cmpi eq, %get3A_12, %eq3A_20 : vector<2048x2xi32>
      %slice3A = vector.extract_strided_slice %get3A_18 {offsets = [0, 0], sizes = [1, 1], strides = [1, 1]} : vector<1x8xi32> to vector<1x1xi32>
      %jit3A = arith.constant 0 : i32
      %broadcast_in_dim3A = vector.shape_cast %slice3A : vector<1x1xi32> to vector<1x1xi32>
      %broadcast_in_dim3A_22 = vector.broadcast %broadcast_in_dim3A : vector<1x1xi32> to vector<2048x2xi32>
      %broadcast_in_dim3A_23 = vector.broadcast %jit3A : i32 to vector<2048x2xi32>
      %select_n3A = arith.select %eq3A_21, %broadcast_in_dim3A_22, %broadcast_in_dim3A_23 : vector<2048x2xi1>, vector<2048x2xi32>
      %add3A = arith.addi %get3A_15, %select_n3A : vector<2048x2xi32>
      %eq3A_24 = arith.constant 1 : i32
      %eq3A_25 = vector.broadcast %eq3A_24 : i32 to vector<2048x2xi32>
      %eq3A_26 = arith.cmpi eq, %get3A_12, %eq3A_25 : vector<2048x2xi32>
      %slice3A_27 = vector.extract_strided_slice %get3A_18 {offsets = [0, 1], sizes = [1, 1], strides = [1, 1]} : vector<1x8xi32> to vector<1x1xi32>
      %jit3A_28 = arith.constant 0 : i32
      %broadcast_in_dim3A_29 = vector.shape_cast %slice3A_27 : vector<1x1xi32> to vector<1x1xi32>
      %broadcast_in_dim3A_30 = vector.broadcast %broadcast_in_dim3A_29 : vector<1x1xi32> to vector<2048x2xi32>
      %broadcast_in_dim3A_31 = vector.broadcast %jit3A_28 : i32 to vector<2048x2xi32>
      %select_n3A_32 = arith.select %eq3A_26, %broadcast_in_dim3A_30, %broadcast_in_dim3A_31 : vector<2048x2xi1>, vector<2048x2xi32>
      %add3A_33 = arith.addi %add3A, %select_n3A_32 : vector<2048x2xi32>
      %eq3A_34 = arith.constant 2 : i32
      %eq3A_35 = vector.broadcast %eq3A_34 : i32 to vector<2048x2xi32>
      %eq3A_36 = arith.cmpi eq, %get3A_12, %eq3A_35 : vector<2048x2xi32>
      %slice3A_37 = vector.extract_strided_slice %get3A_18 {offsets = [0, 2], sizes = [1, 1], strides = [1, 1]} : vector<1x8xi32> to vector<1x1xi32>
      %jit3A_38 = arith.constant 0 : i32
      %broadcast_in_dim3A_39 = vector.shape_cast %slice3A_37 : vector<1x1xi32> to vector<1x1xi32>
      %broadcast_in_dim3A_40 = vector.broadcast %broadcast_in_dim3A_39 : vector<1x1xi32> to vector<2048x2xi32>
      %broadcast_in_dim3A_41 = vector.broadcast %jit3A_38 : i32 to vector<2048x2xi32>
      %select_n3A_42 = arith.select %eq3A_36, %broadcast_in_dim3A_40, %broadcast_in_dim3A_41 : vector<2048x2xi1>, vector<2048x2xi32>
      %add3A_43 = arith.addi %add3A_33, %select_n3A_42 : vector<2048x2xi32>
      %eq3A_44 = arith.constant 3 : i32
      %eq3A_45 = vector.broadcast %eq3A_44 : i32 to vector<2048x2xi32>
      %eq3A_46 = arith.cmpi eq, %get3A_12, %eq3A_45 : vector<2048x2xi32>
      %slice3A_47 = vector.extract_strided_slice %get3A_18 {offsets = [0, 3], sizes = [1, 1], strides = [1, 1]} : vector<1x8xi32> to vector<1x1xi32>
      %jit3A_48 = arith.constant 0 : i32
      %broadcast_in_dim3A_49 = vector.shape_cast %slice3A_47 : vector<1x1xi32> to vector<1x1xi32>
      %broadcast_in_dim3A_50 = vector.broadcast %broadcast_in_dim3A_49 : vector<1x1xi32> to vector<2048x2xi32>
      %broadcast_in_dim3A_51 = vector.broadcast %jit3A_48 : i32 to vector<2048x2xi32>
      %select_n3A_52 = arith.select %eq3A_46, %broadcast_in_dim3A_50, %broadcast_in_dim3A_51 : vector<2048x2xi1>, vector<2048x2xi32>
      %add3A_53 = arith.addi %add3A_43, %select_n3A_52 : vector<2048x2xi32>
      %eq3A_54 = arith.constant 4 : i32
      %eq3A_55 = vector.broadcast %eq3A_54 : i32 to vector<2048x2xi32>
      %eq3A_56 = arith.cmpi eq, %get3A_12, %eq3A_55 : vector<2048x2xi32>
      %slice3A_57 = vector.extract_strided_slice %get3A_18 {offsets = [0, 4], sizes = [1, 1], strides = [1, 1]} : vector<1x8xi32> to vector<1x1xi32>
      %jit3A_58 = arith.constant 0 : i32
      %broadcast_in_dim3A_59 = vector.shape_cast %slice3A_57 : vector<1x1xi32> to vector<1x1xi32>
      %broadcast_in_dim3A_60 = vector.broadcast %broadcast_in_dim3A_59 : vector<1x1xi32> to vector<2048x2xi32>
      %broadcast_in_dim3A_61 = vector.broadcast %jit3A_58 : i32 to vector<2048x2xi32>
      %select_n3A_62 = arith.select %eq3A_56, %broadcast_in_dim3A_60, %broadcast_in_dim3A_61 : vector<2048x2xi1>, vector<2048x2xi32>
      %add3A_63 = arith.addi %add3A_53, %select_n3A_62 : vector<2048x2xi32>
      %eq3A_64 = arith.constant 5 : i32
      %eq3A_65 = vector.broadcast %eq3A_64 : i32 to vector<2048x2xi32>
      %eq3A_66 = arith.cmpi eq, %get3A_12, %eq3A_65 : vector<2048x2xi32>
      %slice3A_67 = vector.extract_strided_slice %get3A_18 {offsets = [0, 5], sizes = [1, 1], strides = [1, 1]} : vector<1x8xi32> to vector<1x1xi32>
      %jit3A_68 = arith.constant 0 : i32
      %broadcast_in_dim3A_69 = vector.shape_cast %slice3A_67 : vector<1x1xi32> to vector<1x1xi32>
      %broadcast_in_dim3A_70 = vector.broadcast %broadcast_in_dim3A_69 : vector<1x1xi32> to vector<2048x2xi32>
      %broadcast_in_dim3A_71 = vector.broadcast %jit3A_68 : i32 to vector<2048x2xi32>
      %select_n3A_72 = arith.select %eq3A_66, %broadcast_in_dim3A_70, %broadcast_in_dim3A_71 : vector<2048x2xi1>, vector<2048x2xi32>
      %add3A_73 = arith.addi %add3A_63, %select_n3A_72 : vector<2048x2xi32>
      %eq3A_74 = arith.constant 6 : i32
      %eq3A_75 = vector.broadcast %eq3A_74 : i32 to vector<2048x2xi32>
      %eq3A_76 = arith.cmpi eq, %get3A_12, %eq3A_75 : vector<2048x2xi32>
      %slice3A_77 = vector.extract_strided_slice %get3A_18 {offsets = [0, 6], sizes = [1, 1], strides = [1, 1]} : vector<1x8xi32> to vector<1x1xi32>
      %jit3A_78 = arith.constant 0 : i32
      %broadcast_in_dim3A_79 = vector.shape_cast %slice3A_77 : vector<1x1xi32> to vector<1x1xi32>
      %broadcast_in_dim3A_80 = vector.broadcast %broadcast_in_dim3A_79 : vector<1x1xi32> to vector<2048x2xi32>
      %broadcast_in_dim3A_81 = vector.broadcast %jit3A_78 : i32 to vector<2048x2xi32>
      %select_n3A_82 = arith.select %eq3A_76, %broadcast_in_dim3A_80, %broadcast_in_dim3A_81 : vector<2048x2xi1>, vector<2048x2xi32>
      %add3A_83 = arith.addi %add3A_73, %select_n3A_82 : vector<2048x2xi32>
      %eq3A_84 = arith.constant 7 : i32
      %eq3A_85 = vector.broadcast %eq3A_84 : i32 to vector<2048x2xi32>
      %eq3A_86 = arith.cmpi eq, %get3A_12, %eq3A_85 : vector<2048x2xi32>
      %slice3A_87 = vector.extract_strided_slice %get3A_18 {offsets = [0, 7], sizes = [1, 1], strides = [1, 1]} : vector<1x8xi32> to vector<1x1xi32>
      %jit3A_88 = arith.constant 0 : i32
      %broadcast_in_dim3A_89 = vector.shape_cast %slice3A_87 : vector<1x1xi32> to vector<1x1xi32>
      %broadcast_in_dim3A_90 = vector.broadcast %broadcast_in_dim3A_89 : vector<1x1xi32> to vector<2048x2xi32>
      %broadcast_in_dim3A_91 = vector.broadcast %jit3A_88 : i32 to vector<2048x2xi32>
      %select_n3A_92 = arith.select %eq3A_86, %broadcast_in_dim3A_90, %broadcast_in_dim3A_91 : vector<2048x2xi1>, vector<2048x2xi32>
      %add3A_93 = arith.addi %add3A_83, %select_n3A_92 : vector<2048x2xi32>
      %swap3A = arith.constant 0 : index
      %swap3A_94 = arith.constant 0 : index
      %swap3A_95 = vector.load %arg8[%swap3A, %swap3A_94] : memref<2048x2xi32, #tpu.memory_space<vmem>>, vector<2048x2xi32>
      tpu.vector_store %arg8[%swap3A, %swap3A_94], %add3A_93 {strides = array<i32>} : memref<2048x2xi32, #tpu.memory_space<vmem>>, vector<2048x2xi32>,
      %slice3A_96 = vector.extract_strided_slice %add3A_93 {offsets = [0, 0], sizes = [2048, 1], strides = [1, 1]} : vector<2048x2xi32> to vector<2048x1xi32>
      %swap3A_97 = arith.constant 0 : index
      %swap3A_98 = arith.constant 0 : index
      %swap3A_99 = vector.load %arg9[%swap3A_97, %swap3A_98] : memref<2048x1xi32, #tpu.memory_space<vmem>>, vector<2048x1xi32>
      tpu.vector_store %arg9[%swap3A_97, %swap3A_98], %slice3A_96 {strides = array<i32>} : memref<2048x1xi32, #tpu.memory_space<vmem>>, vector<2048x1xi32>,
      %slice3A_100 = vector.extract_strided_slice %add3A_93 {offsets = [0, 1], sizes = [2048, 1], strides = [1, 1]} : vector<2048x2xi32> to vector<2048x1xi32>
      %swap3A_101 = arith.constant 0 : index
      %swap3A_102 = arith.constant 0 : index
      %swap3A_103 = vector.load %arg10[%swap3A_101, %swap3A_102] : memref<2048x1xi32, #tpu.memory_space<vmem>>, vector<2048x1xi32>
      tpu.vector_store %arg10[%swap3A_101, %swap3A_102], %slice3A_100 {strides = array<i32>} : memref<2048x1xi32, #tpu.memory_space<vmem>>, vector<2048x1xi32>,
    } else {
    }
    %lt3A = arith.constant 4 : i32
    %lt3A_7 = arith.cmpi slt, %arg0, %lt3A : i32
    %convert_element_type3A_8 = arith.extui %lt3A_7 : i1 to i32
    %cond3A_9 = arith.constant 0 : i32
    %cond3A_10 = arith.cmpi ne, %convert_element_type3A_8, %cond3A_9 : i32
    scf.if %cond3A_10 {
      %get3A = arith.constant 0 : index
      %get3A_11 = arith.constant 0 : index
      %get3A_12 = vector.load %arg1[%get3A, %get3A_11] : memref<512x1024xf32, #tpu.memory_space<vmem>>, vector<512x1024xf32>
      %get3A_13 = arith.constant 0 : index
      %get3A_14 = arith.constant 0 : index
      %get3A_15 = vector.load %arg2[%get3A_13, %get3A_14] : memref<1024x8xf32, #tpu.memory_space<vmem>>, vector<1024x8xf32>
      %dot_general3A = arith.constant dense<0.000000e+00> : vector<512x8xf32>
      %dot_general3A_16 = tpu.matmul %get3A_12, %get3A_15, %dot_general3A {dimension_numbers = #tpu.dot_dimension_numbers<[1], [0], [0], [1], [0, 0, 1, 1], [], []>, transpose_lhs_hint = false} : vector<512x1024xf32>, vector<1024x8xf32>, vector<512x8xf32> -> vector<512x8xf32>
      %swap3A = arith.constant 0 : index
      %swap3A_17 = arith.constant 0 : index
      %swap3A_18 = vector.load %arg3[%swap3A, %swap3A_17] : memref<512x8xf32, #tpu.memory_space<vmem>>, vector<512x8xf32>
      tpu.vector_store %arg3[%swap3A, %swap3A_17], %dot_general3A_16 {strides = array<i32>} : memref<512x8xf32, #tpu.memory_space<vmem>>, vector<512x8xf32>,
      %reduce_max3A = arith.constant dense<0xFF800000> : vector<512xf32>
      %reduce_max3A_19 = vector.multi_reduction <maximumf>, %dot_general3A_16, %reduce_max3A [1] : vector<512x8xf32> to vector<512xf32>
      %broadcast_in_dim3A = vector.shape_cast %reduce_max3A_19 : vector<512xf32> to vector<512x1xf32>
      %sub3A = vector.broadcast %broadcast_in_dim3A : vector<512x1xf32> to vector<512x8xf32>
      %sub3A_20 = arith.subf %dot_general3A_16, %sub3A : vector<512x8xf32>
      %exp3A = math.exp %sub3A_20 : vector<512x8xf32>
      %reduce_sum3A = arith.constant dense<0.000000e+00> : vector<512xf32>
      %reduce_sum3A_21 = vector.multi_reduction <add>, %exp3A, %reduce_sum3A [1] : vector<512x8xf32> to vector<512xf32>
      %broadcast_in_dim3A_22 = vector.shape_cast %reduce_sum3A_21 : vector<512xf32> to vector<512x1xf32>
      %div3A = vector.broadcast %broadcast_in_dim3A_22 : vector<512x1xf32> to vector<512x8xf32>
      %div3A_23 = arith.divf %exp3A, %div3A : vector<512x8xf32>
      %iota3A = tpu.iota {dimensions = array<i32: 1>} : vector<512x8xi32>
      %reduce_max3A_24 = arith.constant dense<0xFF800000> : vector<512xf32>
      %reduce_max3A_25 = vector.multi_reduction <maximumf>, %div3A_23, %reduce_max3A_24 [1] : vector<512x8xf32> to vector<512xf32>
      %broadcast_in_dim3A_26 = vector.shape_cast %reduce_max3A_25 : vector<512xf32> to vector<512x1xf32>
      %eq3A_27 = vector.broadcast %broadcast_in_dim3A_26 : vector<512x1xf32> to vector<512x8xf32>
      %eq3A_28 = arith.cmpf oeq, %div3A_23, %eq3A_27 : vector<512x8xf32>
      %jit3A = arith.constant 8 : i32
      %broadcast_in_dim3A_29 = vector.broadcast %jit3A : i32 to vector<512x8xi32>
      %select_n3A = arith.select %eq3A_28, %iota3A, %broadcast_in_dim3A_29 : vector<512x8xi1>, vector<512x8xi32>
      %reduce_min3A = arith.constant dense<2147483647> : vector<512xi32>
      %reduce_min3A_30 = vector.multi_reduction <minsi>, %select_n3A, %reduce_min3A [1] : vector<512x8xi32> to vector<512xi32>
      %broadcast_in_dim3A_31 = vector.shape_cast %reduce_min3A_30 : vector<512xi32> to vector<512x1xi32>
      %eq3A_32 = vector.broadcast %broadcast_in_dim3A_31 : vector<512x1xi32> to vector<512x8xi32>
      %eq3A_33 = arith.cmpi eq, %iota3A, %eq3A_32 : vector<512x8xi32>
      %jit3A_34 = arith.constant 0xFF800000 : f32
      %broadcast_in_dim3A_35 = vector.broadcast %jit3A_34 : f32 to vector<512x8xf32>
      %select_n3A_36 = arith.select %eq3A_33, %broadcast_in_dim3A_35, %div3A_23 : vector<512x8xi1>, vector<512x8xf32>
      %reduce_max3A_37 = arith.constant dense<0xFF800000> : vector<512xf32>
      %reduce_max3A_38 = vector.multi_reduction <maximumf>, %select_n3A_36, %reduce_max3A_37 [1] : vector<512x8xf32> to vector<512xf32>
      %broadcast_in_dim3A_39 = vector.shape_cast %reduce_max3A_38 : vector<512xf32> to vector<512x1xf32>
      %eq3A_40 = vector.broadcast %broadcast_in_dim3A_39 : vector<512x1xf32> to vector<512x8xf32>
      %eq3A_41 = arith.cmpf oeq, %select_n3A_36, %eq3A_40 : vector<512x8xf32>
      %jit3A_42 = arith.constant 8 : i32
      %broadcast_in_dim3A_43 = vector.broadcast %jit3A_42 : i32 to vector<512x8xi32>
      %select_n3A_44 = arith.select %eq3A_41, %iota3A, %broadcast_in_dim3A_43 : vector<512x8xi1>, vector<512x8xi32>
      %reduce_min3A_45 = arith.constant dense<2147483647> : vector<512xi32>
      %reduce_min3A_46 = vector.multi_reduction <minsi>, %select_n3A_44, %reduce_min3A_45 [1] : vector<512x8xi32> to vector<512xi32>
      %broadcast_in_dim3A_47 = vector.shape_cast %reduce_min3A_46 : vector<512xi32> to vector<512x1xi32>
      %add3A = arith.addf %broadcast_in_dim3A_26, %broadcast_in_dim3A_39 : vector<512x1xf32>
      %div3A_48 = arith.divf %broadcast_in_dim3A_26, %add3A : vector<512x1xf32>
      %div3A_49 = arith.divf %broadcast_in_dim3A_39, %add3A : vector<512x1xf32>
      %concatenate3A = tpu.concatenate %div3A_48, %div3A_49 in 1 : vector<512x1xf32>, vector<512x1xf32> -> vector<512x2xf32>
      %swap3A_50 = arith.constant 0 : index
      %swap3A_51 = arith.constant 0 : index
      %swap3A_52 = vector.load %arg4[%swap3A_50, %swap3A_51] : memref<512x2xf32, #tpu.memory_space<vmem>>, vector<512x2xf32>
      tpu.vector_store %arg4[%swap3A_50, %swap3A_51], %concatenate3A {strides = array<i32>} : memref<512x2xf32, #tpu.memory_space<vmem>>, vector<512x2xf32>,
      %concatenate3A_53 = tpu.concatenate %broadcast_in_dim3A_31, %broadcast_in_dim3A_47 in 1 : vector<512x1xi32>, vector<512x1xi32> -> vector<512x2xi32>
      %mul3A = arith.constant 512 : i32
      %mul3A_54 = arith.muli %arg0, %mul3A : i32
      %swap3A_55 = arith.index_cast %mul3A_54 : i32 to index
      %swap3A_56 = arith.constant 0 : index
      %swap3A_57 = vector.load %arg12[%swap3A_55, %swap3A_56] : memref<2048x2xi32, #tpu.memory_space<vmem>>, vector<512x2xi32>
      tpu.vector_store %arg12[%swap3A_55, %swap3A_56], %concatenate3A_53 {strides = array<i32>} : memref<2048x2xi32, #tpu.memory_space<vmem>>, vector<512x2xi32>,
      %eq3A_58 = vector.broadcast %broadcast_in_dim3A_31 : vector<512x1xi32> to vector<512x8xi32>
      %eq3A_59 = arith.cmpi eq, %iota3A, %eq3A_58 : vector<512x8xi32>
      %convert_element_type3A_60 = arith.extui %eq3A_59 : vector<512x8xi1> to vector<512x8xi32>
      %convert_element_type3A_61 = arith.sitofp %convert_element_type3A_60 : vector<512x8xi32> to vector<512x8xf32>
      %eq3A_62 = vector.broadcast %broadcast_in_dim3A_47 : vector<512x1xi32> to vector<512x8xi32>
      %eq3A_63 = arith.cmpi eq, %iota3A, %eq3A_62 : vector<512x8xi32>
      %convert_element_type3A_64 = arith.extui %eq3A_63 : vector<512x8xi1> to vector<512x8xi32>
      %convert_element_type3A_65 = arith.sitofp %convert_element_type3A_64 : vector<512x8xi32> to vector<512x8xf32>
      %iota3A_66 = tpu.iota {dimensions = array<i32: 0>} : vector<512x512xi32>
      %iota3A_67 = tpu.iota {dimensions = array<i32: 1>} : vector<512x512xi32>
      %lt3A_68 = arith.cmpi slt, %iota3A_67, %iota3A_66 : vector<512x512xi32>
      %convert_element_type3A_69 = arith.extui %lt3A_68 : vector<512x512xi1> to vector<512x512xi32>
      %convert_element_type3A_70 = arith.sitofp %convert_element_type3A_69 : vector<512x512xi32> to vector<512x512xf32>
      %concatenate3A_71 = tpu.concatenate %convert_element_type3A_61, %convert_element_type3A_65 in 1 : vector<512x8xf32>, vector<512x8xf32> -> vector<512x16xf32>
      %dot_general3A_72 = arith.constant dense<0.000000e+00> : vector<512x16xf32>
      %dot_general3A_73 = tpu.matmul %convert_element_type3A_70, %concatenate3A_71, %dot_general3A_72 {dimension_numbers = #tpu.dot_dimension_numbers<[1], [0], [0], [1], [0, 0, 1, 1], [], []>, transpose_lhs_hint = false} : vector<512x512xf32>, vector<512x16xf32>, vector<512x16xf32> -> vector<512x16xf32>
      %slice3A = vector.extract_strided_slice %dot_general3A_73 {offsets = [0, 0], sizes = [512, 8], strides = [1, 1]} : vector<512x16xf32> to vector<512x8xf32>
      %slice3A_74 = vector.extract_strided_slice %dot_general3A_73 {offsets = [0, 8], sizes = [512, 8], strides = [1, 1]} : vector<512x16xf32> to vector<512x8xf32>
      %get3A_75 = arith.constant 0 : index
      %get3A_76 = arith.constant 0 : index
      %get3A_77 = vector.load %arg11[%get3A_75, %get3A_76] : memref<1x8xf32, #tpu.memory_space<vmem>>, vector<1x8xf32>
      %add3A_78 = vector.broadcast %get3A_77 : vector<1x8xf32> to vector<512x8xf32>
      %add3A_79 = arith.addf %add3A_78, %slice3A : vector<512x8xf32>
      %add3A_80 = arith.addf %add3A_79, %slice3A_74 : vector<512x8xf32>
      %mul3A_81 = arith.mulf %convert_element_type3A_61, %add3A_80 : vector<512x8xf32>
      %reduce_sum3A_82 = arith.constant dense<0.000000e+00> : vector<512xf32>
      %reduce_sum3A_83 = vector.multi_reduction <add>, %mul3A_81, %reduce_sum3A_82 [1] : vector<512x8xf32> to vector<512xf32>
      %broadcast_in_dim3A_84 = vector.shape_cast %reduce_sum3A_83 : vector<512xf32> to vector<512x1xf32>
      %add3A_85 = vector.broadcast %get3A_77 : vector<1x8xf32> to vector<512x8xf32>
      %add3A_86 = arith.addf %add3A_85, %slice3A : vector<512x8xf32>
      %add3A_87 = arith.addf %add3A_86, %convert_element_type3A_61 : vector<512x8xf32>
      %add3A_88 = arith.addf %add3A_87, %slice3A_74 : vector<512x8xf32>
      %mul3A_89 = arith.mulf %convert_element_type3A_65, %add3A_88 : vector<512x8xf32>
      %reduce_sum3A_90 = arith.constant dense<0.000000e+00> : vector<512xf32>
      %reduce_sum3A_91 = vector.multi_reduction <add>, %mul3A_89, %reduce_sum3A_90 [1] : vector<512x8xf32> to vector<512xf32>
      %broadcast_in_dim3A_92 = vector.shape_cast %reduce_sum3A_91 : vector<512xf32> to vector<512x1xf32>
      %concatenate3A_93 = tpu.concatenate %broadcast_in_dim3A_84, %broadcast_in_dim3A_92 in 1 : vector<512x1xf32>, vector<512x1xf32> -> vector<512x2xf32>
      %convert_element_type3A_94 = arith.fptosi %concatenate3A_93 : vector<512x2xf32> to vector<512x2xi32>
      %mul3A_95 = arith.constant 512 : i32
      %mul3A_96 = arith.muli %arg0, %mul3A_95 : i32
      %swap3A_97 = arith.index_cast %mul3A_96 : i32 to index
      %swap3A_98 = arith.constant 0 : index
      %swap3A_99 = vector.load %arg13[%swap3A_97, %swap3A_98] : memref<2048x2xi32, #tpu.memory_space<vmem>>, vector<512x2xi32>
      tpu.vector_store %arg13[%swap3A_97, %swap3A_98], %convert_element_type3A_94 {strides = array<i32>} : memref<2048x2xi32, #tpu.memory_space<vmem>>, vector<512x2xi32>,
      %add3A_100 = arith.addf %convert_element_type3A_61, %convert_element_type3A_65 : vector<512x8xf32>
      %reduce_sum3A_101 = arith.constant dense<0.000000e+00> : vector<8xf32>
      %reduce_sum3A_102 = vector.multi_reduction <add>, %add3A_100, %reduce_sum3A_101 [0] : vector<512x8xf32> to vector<8xf32>
      %broadcast_in_dim3A_103 = vector.shape_cast %reduce_sum3A_102 : vector<8xf32> to vector<1x8xf32>
      %add3A_104 = arith.addf %get3A_77, %broadcast_in_dim3A_103 : vector<1x8xf32>
      %swap3A_105 = arith.constant 0 : index
      %swap3A_106 = arith.constant 0 : index
      %swap3A_107 = vector.load %arg11[%swap3A_105, %swap3A_106] : memref<1x8xf32, #tpu.memory_space<vmem>>, vector<1x8xf32>
      tpu.vector_store %arg11[%swap3A_105, %swap3A_106], %add3A_104 {strides = array<i32>} : memref<1x8xf32, #tpu.memory_space<vmem>>, vector<1x8xf32>,
      %eq3A_108 = arith.constant 3 : i32
      %eq3A_109 = arith.cmpi eq, %arg0, %eq3A_108 : i32
      %convert_element_type3A_110 = arith.extui %eq3A_109 : i1 to i32
      %cond3A_111 = arith.constant 0 : i32
      %cond3A_112 = arith.cmpi ne, %convert_element_type3A_110, %cond3A_111 : i32
      scf.if %cond3A_112 {
        %add3A_113 = arith.constant 2.550000e+02 : f32
        %add3A_114 = vector.broadcast %add3A_113 : f32 to vector<1x8xf32>
        %add3A_115 = arith.addf %add3A_104, %add3A_114 : vector<1x8xf32>
        %mul3A_116 = arith.constant 3.906250e-03 : f32
        %mul3A_117 = vector.broadcast %mul3A_116 : f32 to vector<1x8xf32>
        %mul3A_118 = arith.mulf %add3A_115, %mul3A_117 : vector<1x8xf32>
        %floor3A = math.floor %mul3A_118 : vector<1x8xf32>
        %iota3A_119 = tpu.iota {dimensions = array<i32: 0>} : vector<8x8xi32>
        %iota3A_120 = tpu.iota {dimensions = array<i32: 1>} : vector<8x8xi32>
        %lt3A_121 = arith.cmpi slt, %iota3A_119, %iota3A_120 : vector<8x8xi32>
        %convert_element_type3A_122 = arith.extui %lt3A_121 : vector<8x8xi1> to vector<8x8xi32>
        %convert_element_type3A_123 = arith.sitofp %convert_element_type3A_122 : vector<8x8xi32> to vector<8x8xf32>
        %le3A = arith.cmpi sle, %iota3A_119, %iota3A_120 : vector<8x8xi32>
        %convert_element_type3A_124 = arith.extui %le3A : vector<8x8xi1> to vector<8x8xi32>
        %convert_element_type3A_125 = arith.sitofp %convert_element_type3A_124 : vector<8x8xi32> to vector<8x8xf32>
        %dot_general3A_126 = arith.constant dense<0.000000e+00> : vector<1x8xf32>
        %dot_general3A_127 = tpu.matmul %floor3A, %convert_element_type3A_123, %dot_general3A_126 {dimension_numbers = #tpu.dot_dimension_numbers<[1], [0], [0], [1], [0, 0, 1, 1], [], []>, transpose_lhs_hint = false} : vector<1x8xf32>, vector<8x8xf32>, vector<1x8xf32> -> vector<1x8xf32>
        %dot_general3A_128 = arith.constant dense<0.000000e+00> : vector<1x8xf32>
        %dot_general3A_129 = tpu.matmul %floor3A, %convert_element_type3A_125, %dot_general3A_128 {dimension_numbers = #tpu.dot_dimension_numbers<[1], [0], [0], [1], [0, 0, 1, 1], [], []>, transpose_lhs_hint = false} : vector<1x8xf32>, vector<8x8xf32>, vector<1x8xf32> -> vector<1x8xf32>
        %mul3A_130 = arith.constant 2.560000e+02 : f32
        %mul3A_131 = vector.broadcast %mul3A_130 : f32 to vector<1x8xf32>
        %mul3A_132 = arith.mulf %dot_general3A_127, %mul3A_131 : vector<1x8xf32>
        %convert_element_type3A_133 = arith.fptosi %mul3A_132 : vector<1x8xf32> to vector<1x8xi32>
        %swap3A_134 = arith.constant 0 : index
        %swap3A_135 = arith.constant 0 : index
        %swap3A_136 = vector.load %arg5[%swap3A_134, %swap3A_135] : memref<1x8xi32, #tpu.memory_space<vmem>>, vector<1x8xi32>
        tpu.vector_store %arg5[%swap3A_134, %swap3A_135], %convert_element_type3A_133 {strides = array<i32>} : memref<1x8xi32, #tpu.memory_space<vmem>>, vector<1x8xi32>,
        %reduce_sum3A_137 = arith.constant dense<0.000000e+00> : vector<1xf32>
        %reduce_sum3A_138 = vector.multi_reduction <add>, %floor3A, %reduce_sum3A_137 [1] : vector<1x8xf32> to vector<1xf32>
        %broadcast_in_dim3A_139 = vector.shape_cast %reduce_sum3A_138 : vector<1xf32> to vector<1x1xf32>
        %convert_element_type3A_140 = arith.fptosi %broadcast_in_dim3A_139 : vector<1x1xf32> to vector<1x1xi32>
        %swap3A_141 = arith.constant 0 : index
        %swap3A_142 = arith.constant 0 : index
        %swap3A_143 = vector.load %arg7[%swap3A_141, %swap3A_142] : memref<1x1xi32, #tpu.memory_space<vmem>>, vector<1x1xi32>
        tpu.vector_store %arg7[%swap3A_141, %swap3A_142], %convert_element_type3A_140 {strides = array<i32>} : memref<1x1xi32, #tpu.memory_space<vmem>>, vector<1x1xi32>,
        %iota3A_144 = tpu.iota {dimensions = array<i32: 1>} : vector<1x23xi32>
        %convert_element_type3A_145 = arith.sitofp %iota3A_144 : vector<1x23xi32> to vector<1x23xf32>
        %broadcast_in_dim3A_146 = arith.constant 0.000000e+00 : f32
        %broadcast_in_dim3A_147 = vector.broadcast %broadcast_in_dim3A_146 : f32 to vector<1x23xf32>
        %slice3A_148 = vector.extract_strided_slice %dot_general3A_129 {offsets = [0, 0], sizes = [1, 1], strides = [1, 1]} : vector<1x8xf32> to vector<1x1xf32>
        %ge3A = vector.broadcast %slice3A_148 : vector<1x1xf32> to vector<1x23xf32>
        %ge3A_149 = arith.cmpf oge, %convert_element_type3A_145, %ge3A : vector<1x23xf32>
        %convert_element_type3A_150 = arith.extui %ge3A_149 : vector<1x23xi1> to vector<1x23xi32>
        %convert_element_type3A_151 = arith.sitofp %convert_element_type3A_150 : vector<1x23xi32> to vector<1x23xf32>
        %add3A_152 = arith.addf %broadcast_in_dim3A_147, %convert_element_type3A_151 : vector<1x23xf32>
        %slice3A_153 = vector.extract_strided_slice %dot_general3A_129 {offsets = [0, 1], sizes = [1, 1], strides = [1, 1]} : vector<1x8xf32> to vector<1x1xf32>
        %ge3A_154 = vector.broadcast %slice3A_153 : vector<1x1xf32> to vector<1x23xf32>
        %ge3A_155 = arith.cmpf oge, %convert_element_type3A_145, %ge3A_154 : vector<1x23xf32>
        %convert_element_type3A_156 = arith.extui %ge3A_155 : vector<1x23xi1> to vector<1x23xi32>
        %convert_element_type3A_157 = arith.sitofp %convert_element_type3A_156 : vector<1x23xi32> to vector<1x23xf32>
        %add3A_158 = arith.addf %add3A_152, %convert_element_type3A_157 : vector<1x23xf32>
        %slice3A_159 = vector.extract_strided_slice %dot_general3A_129 {offsets = [0, 2], sizes = [1, 1], strides = [1, 1]} : vector<1x8xf32> to vector<1x1xf32>
        %ge3A_160 = vector.broadcast %slice3A_159 : vector<1x1xf32> to vector<1x23xf32>
        %ge3A_161 = arith.cmpf oge, %convert_element_type3A_145, %ge3A_160 : vector<1x23xf32>
        %convert_element_type3A_162 = arith.extui %ge3A_161 : vector<1x23xi1> to vector<1x23xi32>
        %convert_element_type3A_163 = arith.sitofp %convert_element_type3A_162 : vector<1x23xi32> to vector<1x23xf32>
        %add3A_164 = arith.addf %add3A_158, %convert_element_type3A_163 : vector<1x23xf32>
        %slice3A_165 = vector.extract_strided_slice %dot_general3A_129 {offsets = [0, 3], sizes = [1, 1], strides = [1, 1]} : vector<1x8xf32> to vector<1x1xf32>
        %ge3A_166 = vector.broadcast %slice3A_165 : vector<1x1xf32> to vector<1x23xf32>
        %ge3A_167 = arith.cmpf oge, %convert_element_type3A_145, %ge3A_166 : vector<1x23xf32>
        %convert_element_type3A_168 = arith.extui %ge3A_167 : vector<1x23xi1> to vector<1x23xi32>
        %convert_element_type3A_169 = arith.sitofp %convert_element_type3A_168 : vector<1x23xi32> to vector<1x23xf32>
        %add3A_170 = arith.addf %add3A_164, %convert_element_type3A_169 : vector<1x23xf32>
        %slice3A_171 = vector.extract_strided_slice %dot_general3A_129 {offsets = [0, 4], sizes = [1, 1], strides = [1, 1]} : vector<1x8xf32> to vector<1x1xf32>
        %ge3A_172 = vector.broadcast %slice3A_171 : vector<1x1xf32> to vector<1x23xf32>
        %ge3A_173 = arith.cmpf oge, %convert_element_type3A_145, %ge3A_172 : vector<1x23xf32>
        %convert_element_type3A_174 = arith.extui %ge3A_173 : vector<1x23xi1> to vector<1x23xi32>
        %convert_element_type3A_175 = arith.sitofp %convert_element_type3A_174 : vector<1x23xi32> to vector<1x23xf32>
        %add3A_176 = arith.addf %add3A_170, %convert_element_type3A_175 : vector<1x23xf32>
        %slice3A_177 = vector.extract_strided_slice %dot_general3A_129 {offsets = [0, 5], sizes = [1, 1], strides = [1, 1]} : vector<1x8xf32> to vector<1x1xf32>
        %ge3A_178 = vector.broadcast %slice3A_177 : vector<1x1xf32> to vector<1x23xf32>
        %ge3A_179 = arith.cmpf oge, %convert_element_type3A_145, %ge3A_178 : vector<1x23xf32>
        %convert_element_type3A_180 = arith.extui %ge3A_179 : vector<1x23xi1> to vector<1x23xi32>
        %convert_element_type3A_181 = arith.sitofp %convert_element_type3A_180 : vector<1x23xi32> to vector<1x23xf32>
        %add3A_182 = arith.addf %add3A_176, %convert_element_type3A_181 : vector<1x23xf32>
        %slice3A_183 = vector.extract_strided_slice %dot_general3A_129 {offsets = [0, 6], sizes = [1, 1], strides = [1, 1]} : vector<1x8xf32> to vector<1x1xf32>
        %ge3A_184 = vector.broadcast %slice3A_183 : vector<1x1xf32> to vector<1x23xf32>
        %ge3A_185 = arith.cmpf oge, %convert_element_type3A_145, %ge3A_184 : vector<1x23xf32>
        %convert_element_type3A_186 = arith.extui %ge3A_185 : vector<1x23xi1> to vector<1x23xi32>
        %convert_element_type3A_187 = arith.sitofp %convert_element_type3A_186 : vector<1x23xi32> to vector<1x23xf32>
        %add3A_188 = arith.addf %add3A_182, %convert_element_type3A_187 : vector<1x23xf32>
        %slice3A_189 = vector.extract_strided_slice %dot_general3A_129 {offsets = [0, 7], sizes = [1, 1], strides = [1, 1]} : vector<1x8xf32> to vector<1x1xf32>
        %ge3A_190 = vector.broadcast %slice3A_189 : vector<1x1xf32> to vector<1x23xf32>
        %ge3A_191 = arith.cmpf oge, %convert_element_type3A_145, %ge3A_190 : vector<1x23xf32>
        %convert_element_type3A_192 = arith.extui %ge3A_191 : vector<1x23xi1> to vector<1x23xi32>
        %convert_element_type3A_193 = arith.sitofp %convert_element_type3A_192 : vector<1x23xi32> to vector<1x23xf32>
        %add3A_194 = arith.addf %add3A_188, %convert_element_type3A_193 : vector<1x23xf32>
        %iota3A_195 = tpu.iota {dimensions = array<i32: 1>} : vector<1x8xi32>
        %convert_element_type3A_196 = arith.sitofp %iota3A_195 : vector<1x8xi32> to vector<1x8xf32>
        %gt3A = arith.constant 5.000000e-01 : f32
        %gt3A_197 = vector.broadcast %gt3A : f32 to vector<1x8xf32>
        %gt3A_198 = arith.cmpf ogt, %add3A_104, %gt3A_197 : vector<1x8xf32>
        %jit3A_199 = arith.constant 0.000000e+00 : f32
        %broadcast_in_dim3A_200 = vector.broadcast %jit3A_199 : f32 to vector<1x8xf32>
        %select_n3A_201 = arith.select %gt3A_198, %convert_element_type3A_196, %broadcast_in_dim3A_200 : vector<1x8xi1>, vector<1x8xf32>
        %reduce_max3A_202 = arith.constant dense<0xFF800000> : vector<1xf32>
        %reduce_max3A_203 = vector.multi_reduction <maximumf>, %select_n3A_201, %reduce_max3A_202 [1] : vector<1x8xf32> to vector<1xf32>
        %broadcast_in_dim3A_204 = vector.shape_cast %reduce_max3A_203 : vector<1xf32> to vector<1x1xf32>
        %min3A = vector.broadcast %broadcast_in_dim3A_204 : vector<1x1xf32> to vector<1x23xf32>
        %min3A_205 = arith.minimumf %add3A_194, %min3A : vector<1x23xf32>
        %convert_element_type3A_206 = arith.fptosi %min3A_205 : vector<1x23xf32> to vector<1x23xi32>
        %swap3A_207 = arith.constant 0 : index
        %swap3A_208 = arith.constant 0 : index
        %swap3A_209 = vector.load %arg6[%swap3A_207, %swap3A_208] : memref<1x23xi32, #tpu.memory_space<vmem>>, vector<1x23xi32>
        tpu.vector_store %arg6[%swap3A_207, %swap3A_208], %convert_element_type3A_206 {strides = array<i32>} : memref<1x23xi32, #tpu.memory_space<vmem>>, vector<1x23xi32>,
      } else {
      }
    } else {
    }
    return
  }
  func.func @transform_0(%arg0: i32) -> (i32, i32) {
    %min3A = arith.constant 3 : i32
    %min3A_0 = arith.minsi %arg0, %min3A : i32
    %c0_i32 = arith.constant 0 : i32
    %c0_i32_1 = arith.constant 0 : i32
    return %min3A_0, %c0_i32 : i32, i32
  }
  func.func @transform_1(%arg0: i32) -> (i32, i32) {
    %c0_i32 = arith.constant 0 : i32
    %c0_i32_0 = arith.constant 0 : i32
    %c0_i32_1 = arith.constant 0 : i32
    return %c0_i32, %c0_i32_0 : i32, i32
  }
  func.func @transform_2(%arg0: i32) -> (i32, i32) {
    %min3A = arith.constant 3 : i32
    %min3A_0 = arith.minsi %arg0, %min3A : i32
    %c0_i32 = arith.constant 0 : i32
    %c0_i32_1 = arith.constant 0 : i32
    return %min3A_0, %c0_i32 : i32, i32
  }
  func.func @transform_3(%arg0: i32) -> (i32, i32) {
    %min3A = arith.constant 3 : i32
    %min3A_0 = arith.minsi %arg0, %min3A : i32
    %c0_i32 = arith.constant 0 : i32
    %c0_i32_1 = arith.constant 0 : i32
    return %min3A_0, %c0_i32 : i32, i32
  }
  func.func @transform_4(%arg0: i32) -> (i32, i32) {
    %c0_i32 = arith.constant 0 : i32
    %c0_i32_0 = arith.constant 0 : i32
    %c0_i32_1 = arith.constant 0 : i32
    return %c0_i32, %c0_i32_0 : i32, i32
  }
  func.func @transform_5(%arg0: i32) -> (i32, i32) {
    %c0_i32 = arith.constant 0 : i32
    %c0_i32_0 = arith.constant 0 : i32
    %c0_i32_1 = arith.constant 0 : i32
    return %c0_i32, %c0_i32_0 : i32, i32
  }
  func.func @transform_6(%arg0: i32) -> (i32, i32) {
    %c0_i32 = arith.constant 0 : i32
    %c0_i32_0 = arith.constant 0 : i32
    %c0_i32_1 = arith.constant 0 : i32
    return %c0_i32, %c0_i32_0 : i32, i32
  }
  func.func @transform_7(%arg0: i32) -> (i32, i32) {
    %c0_i32 = arith.constant 0 : i32
    %c0_i32_0 = arith.constant 0 : i32
    %c0_i32_1 = arith.constant 0 : i32
    return %c0_i32, %c0_i32_0 : i32, i32
  }
  func.func @transform_8(%arg0: i32) -> (i32, i32) {
    %c0_i32 = arith.constant 0 : i32
    %c0_i32_0 = arith.constant 0 : i32
    %c0_i32_1 = arith.constant 0 : i32
    return %c0_i32, %c0_i32_0 : i32, i32
  }
  func.func @transform_9(%arg0: i32) -> (i32, i32) {
    %c0_i32 = arith.constant 0 : i32
    %c0_i32_0 = arith.constant 0 : i32
    %c0_i32_1 = arith.constant 0 : i32
    return %c0_i32, %c0_i32_0 : i32, i32
  }
}

module attributes {stable_mosaic.version = 14 : i64} {
  func.func @_ffn_body(%arg0: i32, %arg1: memref<23xi32, #tpu.memory_space<smem>>, %arg2: memref<1xi32, #tpu.memory_space<smem>>, %arg3: memref<256x1024xf32, #tpu.memory_space<vmem>>, %arg4: memref<1x1024x1024xf32, #tpu.memory_space<vmem>>, %arg5: memref<1x1024x1024xf32, #tpu.memory_space<vmem>>, %arg6: memref<1x1024x1024xf32, #tpu.memory_space<vmem>>, %arg7: memref<256x1024xf32, #tpu.memory_space<vmem>>) attributes {dimension_semantics = [#tpu.dimension_semantics<arbitrary>], iteration_bounds = array<i64: 23>, scalar_prefetch = 2 : i64, scratch_operands = 0 : i64, tpu.core_type = #tpu.core_type<tc>, window_params = [{transform_indices = @transform_0, window_bounds = array<i64: 256, 1024>}, {transform_indices = @transform_1, window_bounds = array<i64: 1, 1024, 1024>}, {transform_indices = @transform_2, window_bounds = array<i64: 1, 1024, 1024>}, {transform_indices = @transform_3, window_bounds = array<i64: 1, 1024, 1024>}, {transform_indices = @transform_4, window_bounds = array<i64: 256, 1024>}]} {
    %get3A = arith.constant 0 : index
    %get3A_0 = memref.load %arg2[%get3A] : memref<1xi32, #tpu.memory_space<smem>>
    %lt3A = arith.cmpi slt, %arg0, %get3A_0 : i32
    %convert_element_type3A = arith.extui %lt3A : i1 to i32
    %cond3A = arith.constant 0 : i32
    %cond3A_1 = arith.cmpi ne, %convert_element_type3A, %cond3A : i32
    scf.if %cond3A_1 {
      %get3A_2 = arith.constant 0 : index
      %get3A_3 = arith.constant 0 : index
      %get3A_4 = vector.load %arg3[%get3A_2, %get3A_3] : memref<256x1024xf32, #tpu.memory_space<vmem>>, vector<256x1024xf32>
      %get3A_5 = arith.constant 0 : index
      %get3A_6 = arith.constant 0 : index
      %get3A_7 = arith.constant 0 : index
      %get3A_8 = vector.load %arg4[%get3A_5, %get3A_6, %get3A_7] : memref<1x1024x1024xf32, #tpu.memory_space<vmem>>, vector<1x1024x1024xf32>
      %get3A_9 = vector.shape_cast %get3A_8 : vector<1x1024x1024xf32> to vector<1024x1024xf32>
      %dot_general3A = arith.constant dense<0.000000e+00> : vector<256x1024xf32>
      %dot_general3A_10 = tpu.matmul %get3A_4, %get3A_9, %dot_general3A {dimension_numbers = #tpu.dot_dimension_numbers<[1], [0], [0], [1], [0, 0, 1, 1], [], []>, transpose_lhs_hint = false} : vector<256x1024xf32>, vector<1024x1024xf32>, vector<256x1024xf32> -> vector<256x1024xf32>
      %get3A_11 = arith.constant 0 : index
      %get3A_12 = arith.constant 0 : index
      %get3A_13 = arith.constant 0 : index
      %get3A_14 = vector.load %arg5[%get3A_11, %get3A_12, %get3A_13] : memref<1x1024x1024xf32, #tpu.memory_space<vmem>>, vector<1x1024x1024xf32>
      %get3A_15 = vector.shape_cast %get3A_14 : vector<1x1024x1024xf32> to vector<1024x1024xf32>
      %dot_general3A_16 = arith.constant dense<0.000000e+00> : vector<256x1024xf32>
      %dot_general3A_17 = tpu.matmul %get3A_4, %get3A_15, %dot_general3A_16 {dimension_numbers = #tpu.dot_dimension_numbers<[1], [0], [0], [1], [0, 0, 1, 1], [], []>, transpose_lhs_hint = false} : vector<256x1024xf32>, vector<1024x1024xf32>, vector<256x1024xf32> -> vector<256x1024xf32>
      %neg3A = arith.constant 0.000000e+00 : f32
      %neg3A_18 = vector.broadcast %neg3A : f32 to vector<256x1024xf32>
      %neg3A_19 = arith.subf %neg3A_18, %dot_general3A_10 : vector<256x1024xf32>
      %exp3A = math.exp %neg3A_19 : vector<256x1024xf32>
      %add3A = arith.constant 1.000000e+00 : f32
      %add3A_20 = vector.broadcast %add3A : f32 to vector<256x1024xf32>
      %add3A_21 = arith.addf %add3A_20, %exp3A : vector<256x1024xf32>
      %div3A = arith.constant 1.000000e+00 : f32
      %div3A_22 = vector.broadcast %div3A : f32 to vector<256x1024xf32>
      %div3A_23 = arith.divf %div3A_22, %add3A_21 : vector<256x1024xf32>
      %mul3A = arith.mulf %dot_general3A_10, %div3A_23 : vector<256x1024xf32>
      %mul3A_24 = arith.mulf %mul3A, %dot_general3A_17 : vector<256x1024xf32>
      %get3A_25 = arith.constant 0 : index
      %get3A_26 = arith.constant 0 : index
      %get3A_27 = arith.constant 0 : index
      %get3A_28 = vector.load %arg6[%get3A_25, %get3A_26, %get3A_27] : memref<1x1024x1024xf32, #tpu.memory_space<vmem>>, vector<1x1024x1024xf32>
      %get3A_29 = vector.shape_cast %get3A_28 : vector<1x1024x1024xf32> to vector<1024x1024xf32>
      %dot_general3A_30 = arith.constant dense<0.000000e+00> : vector<256x1024xf32>
      %dot_general3A_31 = tpu.matmul %mul3A_24, %get3A_29, %dot_general3A_30 {dimension_numbers = #tpu.dot_dimension_numbers<[1], [0], [0], [1], [0, 0, 1, 1], [], []>, transpose_lhs_hint = false} : vector<256x1024xf32>, vector<1024x1024xf32>, vector<256x1024xf32> -> vector<256x1024xf32>
      %swap3A = arith.constant 0 : index
      %swap3A_32 = arith.constant 0 : index
      %swap3A_33 = vector.load %arg7[%swap3A, %swap3A_32] : memref<256x1024xf32, #tpu.memory_space<vmem>>, vector<256x1024xf32>
      tpu.vector_store %arg7[%swap3A, %swap3A_32], %dot_general3A_31 {strides = array<i32>} : memref<256x1024xf32, #tpu.memory_space<vmem>>, vector<256x1024xf32>,
    } else {
    }
    return
  }
  func.func @transform_0(%arg0: i32, %arg1: memref<23xi32, #tpu.memory_space<smem>>, %arg2: memref<1xi32, #tpu.memory_space<smem>>) -> (i32, i32) {
    %get3A = arith.constant 0 : index
    %get3A_0 = memref.load %arg2[%get3A] : memref<1xi32, #tpu.memory_space<smem>>
    %sub3A = arith.constant 1 : i32
    %sub3A_1 = arith.subi %get3A_0, %sub3A : i32
    %min3A = arith.minsi %arg0, %sub3A_1 : i32
    %c0_i32 = arith.constant 0 : i32
    %c0_i32_2 = arith.constant 0 : i32
    return %min3A, %c0_i32 : i32, i32
  }
  func.func @transform_1(%arg0: i32, %arg1: memref<23xi32, #tpu.memory_space<smem>>, %arg2: memref<1xi32, #tpu.memory_space<smem>>) -> (i32, i32, i32) {
    %get3A = arith.index_cast %arg0 : i32 to index
    %get3A_0 = memref.load %arg1[%get3A] : memref<23xi32, #tpu.memory_space<smem>>
    %c0_i32 = arith.constant 0 : i32
    %c0_i32_1 = arith.constant 0 : i32
    %c0_i32_2 = arith.constant 0 : i32
    return %get3A_0, %c0_i32, %c0_i32_1 : i32, i32, i32
  }
  func.func @transform_2(%arg0: i32, %arg1: memref<23xi32, #tpu.memory_space<smem>>, %arg2: memref<1xi32, #tpu.memory_space<smem>>) -> (i32, i32, i32) {
    %get3A = arith.index_cast %arg0 : i32 to index
    %get3A_0 = memref.load %arg1[%get3A] : memref<23xi32, #tpu.memory_space<smem>>
    %c0_i32 = arith.constant 0 : i32
    %c0_i32_1 = arith.constant 0 : i32
    %c0_i32_2 = arith.constant 0 : i32
    return %get3A_0, %c0_i32, %c0_i32_1 : i32, i32, i32
  }
  func.func @transform_3(%arg0: i32, %arg1: memref<23xi32, #tpu.memory_space<smem>>, %arg2: memref<1xi32, #tpu.memory_space<smem>>) -> (i32, i32, i32) {
    %get3A = arith.index_cast %arg0 : i32 to index
    %get3A_0 = memref.load %arg1[%get3A] : memref<23xi32, #tpu.memory_space<smem>>
    %c0_i32 = arith.constant 0 : i32
    %c0_i32_1 = arith.constant 0 : i32
    %c0_i32_2 = arith.constant 0 : i32
    return %get3A_0, %c0_i32, %c0_i32_1 : i32, i32, i32
  }
  func.func @transform_4(%arg0: i32, %arg1: memref<23xi32, #tpu.memory_space<smem>>, %arg2: memref<1xi32, #tpu.memory_space<smem>>) -> (i32, i32) {
    %c0_i32 = arith.constant 0 : i32
    %c0_i32_0 = arith.constant 0 : i32
    return %arg0, %c0_i32 : i32, i32
  }
}

module attributes {stable_mosaic.version = 14 : i64} {
  func.func @_combine_body(%arg0: i32, %arg1: memref<512x1024xf32, #tpu.memory_space<vmem>>, %arg2: memref<512x1024xf32, #tpu.memory_space<vmem>>, %arg3: memref<512x2xf32, #tpu.memory_space<vmem>>, %arg4: memref<512x1024xf32, #tpu.memory_space<vmem>>) attributes {dimension_semantics = [#tpu.dimension_semantics<arbitrary>], iteration_bounds = array<i64: 4>, scalar_prefetch = 0 : i64, scratch_operands = 0 : i64, tpu.core_type = #tpu.core_type<tc>, window_params = [{transform_indices = @transform_0, window_bounds = array<i64: 512, 1024>}, {transform_indices = @transform_1, window_bounds = array<i64: 512, 1024>}, {transform_indices = @transform_2, window_bounds = array<i64: 512, 2>}, {transform_indices = @transform_3, window_bounds = array<i64: 512, 1024>}]} {
    %get3A = arith.constant 0 : index
    %get3A_0 = arith.constant 0 : index
    %get3A_1 = vector.load %arg3[%get3A, %get3A_0] : memref<512x2xf32, #tpu.memory_space<vmem>>, vector<512x1xf32>
    %get3A_2 = arith.constant 0 : index
    %get3A_3 = arith.constant 1 : index
    %get3A_4 = vector.load %arg3[%get3A_2, %get3A_3] : memref<512x2xf32, #tpu.memory_space<vmem>>, vector<512x1xf32>
    %get3A_5 = arith.constant 0 : index
    %get3A_6 = arith.constant 0 : index
    %get3A_7 = vector.load %arg1[%get3A_5, %get3A_6] : memref<512x1024xf32, #tpu.memory_space<vmem>>, vector<512x1024xf32>
    %mul3A = vector.broadcast %get3A_1 : vector<512x1xf32> to vector<512x1024xf32>
    %mul3A_8 = arith.mulf %get3A_7, %mul3A : vector<512x1024xf32>
    %get3A_9 = arith.constant 0 : index
    %get3A_10 = arith.constant 0 : index
    %get3A_11 = vector.load %arg2[%get3A_9, %get3A_10] : memref<512x1024xf32, #tpu.memory_space<vmem>>, vector<512x1024xf32>
    %mul3A_12 = vector.broadcast %get3A_4 : vector<512x1xf32> to vector<512x1024xf32>
    %mul3A_13 = arith.mulf %get3A_11, %mul3A_12 : vector<512x1024xf32>
    %add3A = arith.addf %mul3A_8, %mul3A_13 : vector<512x1024xf32>
    %swap3A = arith.constant 0 : index
    %swap3A_14 = arith.constant 0 : index
    %swap3A_15 = vector.load %arg4[%swap3A, %swap3A_14] : memref<512x1024xf32, #tpu.memory_space<vmem>>, vector<512x1024xf32>
    tpu.vector_store %arg4[%swap3A, %swap3A_14], %add3A {strides = array<i32>} : memref<512x1024xf32, #tpu.memory_space<vmem>>, vector<512x1024xf32>,
    return
  }
  func.func @transform_0(%arg0: i32) -> (i32, i32) {
    %c0_i32 = arith.constant 0 : i32
    %c0_i32_0 = arith.constant 0 : i32
    return %arg0, %c0_i32 : i32, i32
  }
  func.func @transform_1(%arg0: i32) -> (i32, i32) {
    %c0_i32 = arith.constant 0 : i32
    %c0_i32_0 = arith.constant 0 : i32
    return %arg0, %c0_i32 : i32, i32
  }
  func.func @transform_2(%arg0: i32) -> (i32, i32) {
    %c0_i32 = arith.constant 0 : i32
    %c0_i32_0 = arith.constant 0 : i32
    return %arg0, %c0_i32 : i32, i32
  }
  func.func @transform_3(%arg0: i32) -> (i32, i32) {
    %c0_i32 = arith.constant 0 : i32
    %c0_i32_0 = arith.constant 0 : i32
    return %arg0, %c0_i32 : i32, i32
  }
}

</mosaic_0001>

<sc_bundles>
// kernel: kernel.10.cloned.1.call-start
scs
__scs_entry_jumppad:
0x0: {  	(pc) =	sbr.rel $0x88, $3  }
0x1: {  	(tag) =	ssettag $0x0;
	lr =	simm.s32 $0x1  }
0x2: {  	[smem:$0x3F9C] =	sst lr;
	_ =	strace $0xD0000000  }
0x3: {  	_ = 	snop  }
0x4: {  	_ = 	snop  }
0x5: {  	_ = 	snop  }
0x6: {  	_ = 	snop  }
0x7: {  	_ = 	snop  }
__scs_overlays_trampoline_lowered:
0x8: {  	[smem:$0x3FAB] =	sst s0  }
0x9: {  	[smem:$0x3FAC] =	sst s1  }
0xa: {  	[smem:$0x3FAD] =	sst s2  }
0xb: {  	[smem:$0x3FAE] =	sst s3  }
0xc: {  	[smem:$0x3FAF] =	sst s4  }
0xd: {  	[smem:$0x3FB0] =	sst s5  }
0xe: {  	[smem:$0x3FB1] =	sst s6  }
0xf: {  	[smem:$0x3FB2] =	sst s7  }
0x10: {  	[smem:$0x3FB3] =	sst s8  }
0x11: {  	[smem:$0x3FB4] =	sst s9;
	s0 =	simm.s32 @!p0 $0x0  }
0x12: {  	s1 =	sld [smem:$0x3F9A];
	s0 =	simm.s32 @p0 $0x1  }
0x13: {  	[smem:$0x3FB5] =	sst s0;
	s0 =	simm.s32 @!p1 $0x0  }
0x14: {  	s2 =	sld [smem:$0x3F99];
	s0 =	simm.s32 @p1 $0x1  }
0x15: {  	[smem:$0x3FB6] =	sst s0;
	s0 =	simm.s32 @!p2 $0x0  }
0x16: {  	s3 =	sld [smem:$0x3FDB];
	s0 =	simm.s32 @p2 $0x1  }
0x17: {  	s4 =	simm.s32 $0x1BF5;
	[smem:$0x3FB8] =	sst s0  }
0x18: {  	s0 =	sld [smem:$0x3F9B];
	_ =	swait.ge [sflag:s4], $0x0  }
0x19: {  	s7 =	sld [smem:$0x3F9C]  }
0x1a: {  	s8 =	sadd.s32 $0xFFFFE003, lr  }
0x1b: {  	s9 =	sadd.s32 $0xFFFFFEF7, lr;
	s5 =	simm.s32 $0xFFFFFFFF;
	p2 =	slt.u32 s8, $0xFFFFF086  }
0x1c: {  	p1 =	slt.u32 s9, $0xF7A;
	s5 =	simm.s32 @!p2 $0x0  }
0x1d: {  	s5 =	simm.s32 @p1 $0x1;
	p0 =	seq.s32 s7, s2  }
0x1e: {  	s7 =	smul.u32 @!p0 $0xF7A, s2;
	p2 =	seq.s32 @!p0 s5, $0x0  }
0x1f: {  	s9 =	smul.u32 $0xF7A, s1;
	s8 =	simm.s32 @!p0 $0x1BF5;
	p2 =	por !p2, p0  }
0x20: {  	[sflag:s8] =	ssyncset.s32 @!p0 $0xFFFFF086;
	s6 =	sadd.s32 @!p0 s3, s7;
	s7 =	simm.s32 @!p0 $0x108  }
0x21: {  	s3 =	sadd.s32 s3, s9;
	s6 =	sadd.s32 @!p0 $0x88, s6;
	s7 =	simm.s32 @p2 $0x1082  }
0x22: {  	[simem:s7], [sflag:s8] =	dma.local @!p0 [hbm:s6], $0xF7A  }
0x23: {  	s9 =	sor.u32 $0xD0000000, s2;
	s6 =	simm.s32 $0x108;
	_ =	swait.ge @!p0 [sflag:s8], $0x0  }
0x24: {  	s3 =	sadd.s32 $0x88, s3;
	s6 =	simm.s32 @!p1 $0x1082;
	[sflag:s4] =	ssyncset.s32 $0xFFFFF086  }
0x25: {  	[simem:s6], [sflag:s4] =	dma.local [hbm:s3], $0xF7A  }
0x26: {  	[smem:$0x3F9C] =	sst s1;
	(tag) =	ssettag s2;
	_ =	strace s9  }
0x27: {  	s1 =	sld [smem:$0x3FAC]  }
0x28: {  	s2 =	sld [smem:$0x3FAD]  }
0x29: {  	s4 =	sld [smem:$0x3FAF]  }
0x2a: {  	p0 =	seq.s32 s5, $0x0;
	s5 =	sld [smem:$0x3FB0]  }
0x2b: {  	s6 =	sld [smem:$0x3FB1]  }
0x2c: {  	s7 =	sld [smem:$0x3FB2]  }
0x2d: {  	s3 =	simm.s32 $0x108;
	s8 =	sld [smem:$0x3FB3]  }
0x2e: {  	s3 =	simm.s32 @!p0 $0x1082;
	s9 =	sld [smem:$0x3FB4]  }
0x2f: {  	lr =	sadd.s32 s0, s3;
	s0 =	sld [smem:$0x3FAB]  }
0x30: {  	s3 =	sld [smem:$0x3FAE]  }
0x31: {  	[smem:$0x3FB7] =	sst s10  }
0x32: {  	s10 =	sld [smem:$0x3FB5];
	_ =	sdelay $0x3  }
0x33: {  	p0 =	seq.s32 s10, $0x1;
	s10 =	sld [smem:$0x3FB7];
	_ =	sdelay $0x3  }
0x34: {  	[smem:$0x3FB7] =	sst s10  }
0x35: {  	s10 =	sld [smem:$0x3FB6];
	_ =	sdelay $0x3  }
0x36: {  	p1 =	seq.s32 s10, $0x1;
	s10 =	sld [smem:$0x3FB7];
	_ =	sdelay $0x3  }
0x37: {  	[smem:$0x3FB7] =	sst s10  }
0x38: {  	s10 =	sld [smem:$0x3FB8]  }
0x39: {  	_ = 	snop;
	(pc) =	sbr.ind lr, $3  }
0x3a: {  	_ = 	snop  }
0x3b: {  	_ = 	snop  }
0x3c: {  	p2 =	seq.s32 s10, $0x1;
	s10 =	sld [smem:$0x3FB7]  }
0x3d: {  	_ =	shalt  }
0x3e: {  	_ =	shalt  }
0x3f: {  	_ =	shalt  }
0x40: {  	_ =	shalt  }
0x41: {  	_ =	shalt  }
0x42: {  	_ =	shalt  }
0x43: {  	_ =	shalt  }
0x44: {  	_ =	shalt  }
0x45: {  	_ =	shalt  }
0x46: {  	_ =	shalt  }
0x47: {  	_ =	shalt  }
0x48: {  	_ =	shalt  }
0x49: {  	_ =	shalt  }
0x4a: {  	_ =	shalt  }
0x4b: {  	_ =	shalt  }
0x4c: {  	_ =	shalt  }
0x4d: {  	_ =	shalt  }
0x4e: {  	_ =	shalt  }
0x4f: {  	_ =	shalt  }
0x50: {  	_ =	shalt  }
0x51: {  	_ =	shalt  }
0x52: {  	_ =	shalt  }
0x53: {  	_ =	shalt  }
0x54: {  	_ =	shalt  }
0x55: {  	_ =	shalt  }
0x56: {  	_ =	shalt  }
0x57: {  	_ =	shalt  }
0x58: {  	_ =	shalt  }
0x59: {  	_ =	shalt  }
0x5a: {  	_ =	shalt  }
0x5b: {  	_ =	shalt  }
0x5c: {  	_ =	shalt  }
0x5d: {  	_ =	shalt  }
0x5e: {  	_ =	shalt  }
0x5f: {  	_ =	shalt  }
0x60: {  	_ =	shalt  }
0x61: {  	_ =	shalt  }
0x62: {  	_ =	shalt  }
0x63: {  	_ =	shalt  }
0x64: {  	_ =	shalt  }
0x65: {  	_ =	shalt  }
0x66: {  	_ =	shalt  }
0x67: {  	_ =	shalt  }
0x68: {  	_ =	shalt  }
0x69: {  	_ =	shalt  }
0x6a: {  	_ =	shalt  }
0x6b: {  	_ =	shalt  }
0x6c: {  	_ =	shalt  }
0x6d: {  	_ =	shalt  }
0x6e: {  	_ =	shalt  }
0x6f: {  	_ =	shalt  }
0x70: {  	_ =	shalt  }
0x71: {  	_ =	shalt  }
0x72: {  	_ =	shalt  }
0x73: {  	_ =	shalt  }
0x74: {  	_ =	shalt  }
0x75: {  	_ =	shalt  }
0x76: {  	_ =	shalt  }
0x77: {  	_ =	shalt  }
0x78: {  	_ =	shalt  }
0x79: {  	_ =	shalt  }
0x7a: {  	_ =	shalt  }
0x7b: {  	_ =	shalt  }
0x7c: {  	_ =	shalt  }
0x7d: {  	_ =	shalt  }
0x7e: {  	_ =	shalt  }
0x7f: {  	_ =	shalt  }
0x80: {  	_ =	shalt  }
0x81: {  	_ =	shalt  }
0x82: {  	_ =	shalt  }
0x83: {  	_ =	shalt  }
0x84: {  	_ =	shalt  }
0x85: {  	_ =	shalt  }
0x86: {  	_ =	shalt  }
0x87: {  	_ =	shalt  }
.Lfunc_end0:
.L_simem_size_0:
called_computation.1_lowered:
.L_overlay_start_0:
0x88: {  	s2 =	sld [smem:$0x3FD9]  }
0x89: {  	s3 =	sld [smem:$0x3FFE];
	_ =	sdelay $0x1  }
0x8a: {  	s1 =	srdreg.scid  }
0x8b: {  	s0 =	sand.u32 $0x1, s1  }
0x8c: {  	s14 =	sshll.u32 s0, $0xA;
	s2 =	sadd.s32 s3, s2  }
0x8d: {  	s2 =	sadd.s32 s2, s14  }
0x8e: {  	[smem:$0x3FC3] =	sst s2  }
0x8f: {  	_ = 	snop  }
0x90: {  	s2 =	sld [smem:$0x3FD0];
	_ =	sdelay $0x2  }
0x91: {  	s15 =	simm.s32 $0xA;
	s4 =	simm.s32 $0x10  }
0x92: {  	[smem:s4], [sflag:s15] =	dma.local [hbm:s2], $0x1  }
0x93: {  	_ =	swait.eq [sflag:s15], $0x1  }
0x94: {  	[sflag:s15] =	ssyncset.done $0x0  }
0x95: {  	[sflag:s15] =	ssyncadd.s32 $0xFFFFFFFF  }
0x96: {  	s16 =	sld [smem:$0x10];
	(tm) =	ssettm $0x1  }
0x97: {  	s17 =	sld [smem:$0x3FFB];
	_ =	sdelay $0x3  }
0x98: {  	_ =	strace s17  }
0x99: {  	s3 =	sld [smem:$0x3FFC];
	_ =	sdelay $0x3  }
0x9a: {  	_ =	strace s3  }
0x9b: {  	s3 =	sld [smem:$0x3FFD];
	_ =	sdelay $0x3  }
0x9c: {  	_ =	strace s3  }
0x9d: {  	_ =	strace $0x8FFFFFFF  }
0x9e: {  	s18 =	sld [smem:$0x3FDB];
	_ =	sdelay $0x1  }
0x9f: {  	s19 =	simm.s32 $_scs_section_size  }
0xa0: {  	s5 =	simm.s32 $_size__tile_overlayer_lowered;
	s6 =	simm.s32 $_tile_overlayer_lowered  }
0xa1: {  	s22 =	simm.s32 $0x1BFF;
	s21 =	sshll.u32 s6, $0x1;
	s3 =	sadd.s32 s19, s18  }
0xa2: {  	s7 =	simm.s32 $0x0;
	s20 =	sshll.u32 s5, $0x1;
	s5 =	sadd.s32 s21, s3  }
0xa3: {  	[timem:s7], [sflag:s22] =	dma.local [hbm:s5], s20  }
0xa4: {  	_ =	swait.ge [sflag:s22], s20  }
0xa5: {  	s4 =	ssub.s32 $0x0, s20;
	[sflag:s22] =	ssyncset.done $0x0  }
0xa6: {  	[sflag:s22] =	ssyncadd.s32 s4;
	_ =	sdelay $0x1  }
0xa7: {  	s23 =	simm.s32 $0x1B8B  }
0xa8: {  	_ =	swait.ge [sflag:s23], $0x1  }
0xa9: {  	[sflag:s23] =	ssyncset.done $0x0  }
0xaa: {  	s25 =	simm.s32 $0x1B8E;
	s24 =	sld [smem:$0x3FFE];
	[sflag:s23] =	ssyncadd.s32 $0xFFFFFFFF  }
0xab: {  	s26 =	simm.s32 $execute0_lowered;
	[smem:$0x3FD2] =	sst s25  }
0xac: {  	s5 =	sshll.u32 s26, $0x1;
	_ =	strace $0x80000049;
	[dreg:$0x1] =	wrdreg $0xFFFFFFFF  }
0xad: {  	s28 =	simm.s32 $_size_execute0_lowered;
	s3 =	sadd.s32 s3, s5;
	[dreg:$0x0] =	wrdreg $0x0  }
0xae: {  	s5 =	sshll.u32 s28, $0x1;
	[dreg:$0x2] =	wrdreg s3  }
0xaf: {  	[dreg:$0x3] =	wrdreg s5  }
0xb0: {  	[dreg:$0x4] =	wrdreg $0xC0  }
0xb1: {  	_ =	task [dreg:s7], $0x5FFFF  }
0xb2: {  	[dreg:$0x1] =	wrdreg $0xFFFFFFFF  }
0xb3: {  	[dreg:$0x0] =	wrdreg $0x60  }
0xb4: {  	[dreg:$0x2] =	wrdreg s24  }
0xb5: {  	[dreg:$0x3] =	wrdreg s16  }
0xb6: {  	[dreg:$0x4] =	wrdreg $0x9  }
0xb7: {  	_ =	task.clear_ibuf [dreg:s7], $0x5FFFF;
	_ =	strace $0x90000049  }
0xb8: {  	s29 =	simm.s32 $0x9;
	_ =	strace $0x8000004B  }
0xb9: {  	_ =	swait.ge [sflag:s29], $0x1  }
0xba: {  	[sflag:s29] =	ssyncadd.s32 $0xFFFFFFFF  }
0xbb: {  	_ =	strace $0x9000004B  }
0xbc: {  	_ =	sfence  }
0xbd: {  	s30 =	sld [smem:$0x0];
	_ =	sdelay $0x2  }
0xbe: {  	s31 =	sshll.u32 s1, $0xD;
	s1 =	sshrl.u32 s1, $0x2  }
0xbf: {  	s3 =	sand.u32 $0x4000, s31;
	s1 =	sadd.s32 s1, s30  }
0xc0: {  	s0 =	sor.u32 s3, s0;
	s1 =	sshll.u32 s1, $0x11  }
0xc1: {  	s0 =	sor.u32 s1, s0  }
0xc2: {  	s0 =	sadd.s32 $0x8F2B, s0  }
0xc3: {  	[sflag:s0] =	ssyncadd.remote.s32 $0x1  }
0xc4: {  	_ =	sfence.sel $0xFFFF  }
0xc5: {  	[dreg:$0x0] =	wrdreg $0xFFFFFFFF;
	(pc) =	sbr.abs _section_cstart, $3  }
0xc6: {  	[dreg:$0x1] =	wrdreg $0xFFFFFFFF  }
0xc7: {  	_ =	task.clear_ibuf [dreg:s7], $0x2FFFF;
	_ =	strace $0x9FFFFFFF  }
0xc8: {  	(tm) =	ssettm $0x7FFFFFFF  }
0xc9: {  	_ =	shalt  }
tec
execute0_lowered:
.L_overlay_start_1:
0x0: {  	(tag) =	ssettag $0x1  }
0x1: {  	s0 =	rddreg [dreg:$0x0]  }
0x2: {  	s12 =	rddreg [dreg:$0x1];
	s2 =	simm.s32 $0x0  }
0x3: {  	s1 =	srdreg.scid;
	s9 =	stileid.u32;
	s13 =	simm.s32 $0x5  }
0x4: {  	s15 =	simm.s32 $0x100;
	s16 =	simm.s32 $0xA900;
	s17 =	simm.s32 $0xB100  }
0x5: {  	s18 =	simm.s32 $0xB900;
	s19 =	simm.s32 $0xC100;
	s20 =	simm.s32 $0xC900  }
0x6: {  	s21 =	simm.s32 $0xD100;
	s22 =	simm.s32 $0xD900;
	s23 =	simm.s32 $0xE100  }
0x7: {  	s24 =	simm.s32 $0xE900;
	s25 =	simm.s32 $0xF100;
	s28 =	simm.s32 $0x1  }
0x8: {  	s29 =	simm.s32 $0x2;
	s30 =	simm.s32 $0x3;
	s31 =	simm.s32 $0x4  }
0x9: {  	[smem:$0x7FF] =	sst s2;
	s3 =	sadd.s32 $0xB8C00, s0;
	s5 =	sadd.s32 $0xB8E00, s0  }
0xa: {  	s6 =	sadd.s32 $0xB9000, s0;
	s1 =	sand.u32 $0x1, s1;
	s7 =	sadd.s32 $0xA00, s0  }
0xb: {  	s9 =	sshll.u32 s9, $0x7;
	s10 =	sadd.s32 $0xB9200, s0;
	s4 =	ssub.s32 $0x2, s1  }
0xc: {  	s11 =	sadd.s32 $0xB9300, s0;
	s1 =	sshll.u32 s1, $0x6;
	s8 =	sshrl.u32 s4, $0x1  }
0xd: {  	v2 =	vlaneseq.u32;
	_ =	strace $0x8000004A;
	s4 =	ssub.s32 s4, s8;
	s8 =	sor.u32 s1, s9  }
0xe: {  	vm0 =	vmmov $0xffff;
	v1 =	vshrl.u32 v2, $0x3;
	s9 =	sadd.s32 $0xB9100, s0;
	s0 =	simm.s32 $0x8100;
	s26 =	smax.u32 s4, $0x1  }
0xf: {  	v0 =	vand.u32 $0x7, v2;
	v2 =	vor.u32 $0x8, v2;
	v1 =	vmul.u32 $0x8, v1;
	s4 =	simm.s32 $0x0;
	[dreg:$0x3] =	wrdreg s26;
	s26 =	simm.s32 $0xF900  }
.LBB2_1:
0x10: {  	[dreg:$0x4] =	wrdreg s4;
	p0 =	por $0x1, $0x1;
	s4 =	simm.s32 $0x0  }
.LBB2_2:
0x11: {  	s4 =	sor.u32 s8, s4  }
0x12: {  	s14 =	smov.u32 s12;
	s12 =	sshrl.u32 s4, $0x3  }
0x13: {  	s1 =	sadd.s32 s3, s12  }
0x14: {  	[tilespmem:s2], [sflag:$0x5] =	stream.linear.gather [hbm4b:s1+s2], $0x20, $0x38;
	[tilespmem:$0x10100] =	vst v63  }
0x15: {  	_ =	swait.ge [sflag:s13], $0x20  }
0x16: {  	s1 =	sadd.s32 s5, s12;
	[sflag:s13] =	ssyncset.done $0x0  }
0x17: {  	s12 =	smov.u32 s14;
	s14 =	simm.s32 $0x80;
	[sflag:s13] =	ssyncadd.s32 $0xFFFFFFE0  }
0x18: {  	[tilespmem:s14], [sflag:$0x5] =	stream.linear.gather [hbm4b:s1+s2], $0x20, $0x38;
	[tilespmem:$0x10100] =	vst v63  }
0x19: {  	_ =	swait.ge [sflag:s13], $0x20  }
0x1a: {  	[sflag:s13] =	ssyncset.done $0x0  }
0x1b: {  	[sflag:s13] =	ssyncadd.s32 $0xFFFFFFE0  }
0x1c: {  	v3 =	vld [tilespmem:$0x0];
	_ =	sdelay $0x4  }
0x1d: {  	v4 =	vshll.u32 v3, $0x3  }
0x1e: {  	v3 =	vand.u32 $0x7, v3;
	v4 =	vand.u32 $0xFFFFFFC0, v4  }
0x1f: {  	v3 =	vor.u32 v3, v4  }
0x20: {  	v4 =	vperm.xlane v3, v0;
	_ =	sdelay $0x1  }
0x21: {  	v4 =	vadd.s32 v1, v4;
	_ =	sdelay $0x4  }
0x22: {  	[tilespmem:s15], [sflag:$0x1] =	stream.indirect_vreg.gather [hbm4b:s6+s2], $0x80, v4, vm0, $0xb8;
	[tilespmem:$0x10100] =	vst v63  }
0x23: {  	s1 =	simm.s32 $0x900;
	v3 =	vperm.xlane v3, v2  }
0x24: {  	[tilespmem:s1], [sflag:$0x1] =	stream.indirect_vreg.gather [hbm4b:s9+s2], $0x80, v4, vm0, $0xb8;
	[tilespmem:$0x10100] =	vst v63  }
0x25: {  	s14 =	simm.s32 $0x1100;
	v3 =	vadd.s32 v1, v3  }
0x26: {  	[tilespmem:s14], [sflag:$0x1] =	stream.indirect_vreg.gather [hbm4b:s10+s2], $0x80, v4, vm0, $0xb8;
	[tilespmem:$0x10100] =	vst v63  }
0x27: {  	s1 =	simm.s32 $0x1900  }
0x28: {  	[tilespmem:s1], [sflag:$0x1] =	stream.indirect_vreg.gather [hbm4b:s11+s2], $0x80, v4, vm0, $0xb8;
	[tilespmem:$0x10100] =	vst v63  }
0x29: {  	s14 =	simm.s32 $0x2100  }
0x2a: {  	[tilespmem:s14], [sflag:$0x1] =	stream.indirect_vreg.gather [hbm4b:s6+s2], $0x80, v3, vm0, $0xb8;
	[tilespmem:$0x10100] =	vst v63  }
0x2b: {  	s1 =	simm.s32 $0x2900  }
0x2c: {  	[tilespmem:s1], [sflag:$0x1] =	stream.indirect_vreg.gather [hbm4b:s9+s2], $0x80, v3, vm0, $0xb8;
	[tilespmem:$0x10100] =	vst v63  }
0x2d: {  	s14 =	simm.s32 $0x3100  }
0x2e: {  	[tilespmem:s14], [sflag:$0x1] =	stream.indirect_vreg.gather [hbm4b:s10+s2], $0x80, v3, vm0, $0xb8;
	[tilespmem:$0x10100] =	vst v63  }
0x2f: {  	s1 =	simm.s32 $0x3900  }
0x30: {  	[tilespmem:s1], [sflag:$0x1] =	stream.indirect_vreg.gather [hbm4b:s11+s2], $0x80, v3, vm0, $0xb8;
	[tilespmem:$0x10100] =	vst v63  }
0x31: {  	v3 =	vld [tilespmem:$0x10];
	_ =	sdelay $0x4  }
0x32: {  	v61 =	vshll.u32 v3, $0x3  }
0x33: {  	v3 =	vand.u32 $0x7, v3;
	v4 =	vand.u32 $0xFFFFFFC0, v61  }
0x34: {  	v3 =	vor.u32 v3, v4  }
0x35: {  	v4 =	vperm.xlane v3, v0;
	_ =	sdelay $0x1  }
0x36: {  	v4 =	vadd.s32 v1, v4;
	_ =	sdelay $0x3  }
0x37: {  	s14 =	simm.s32 $0x4100  }
0x38: {  	[tilespmem:s14], [sflag:$0x1] =	stream.indirect_vreg.gather [hbm4b:s6+s2], $0x80, v4, vm0, $0xb8;
	[tilespmem:$0x10100] =	vst v63  }
0x39: {  	s1 =	simm.s32 $0x4900;
	v3 =	vperm.xlane v3, v2  }
0x3a: {  	[tilespmem:s1], [sflag:$0x1] =	stream.indirect_vreg.gather [hbm4b:s9+s2], $0x80, v4, vm0, $0xb8;
	[tilespmem:$0x10100] =	vst v63  }
0x3b: {  	v3 =	vadd.s32 v1, v3;
	s14 =	simm.s32 $0x5100  }
0x3c: {  	[tilespmem:s14], [sflag:$0x1] =	stream.indirect_vreg.gather [hbm4b:s10+s2], $0x80, v4, vm0, $0xb8;
	[tilespmem:$0x10100] =	vst v63  }
0x3d: {  	s1 =	simm.s32 $0x5900  }
0x3e: {  	[tilespmem:s1], [sflag:$0x1] =	stream.indirect_vreg.gather [hbm4b:s11+s2], $0x80, v4, vm0, $0xb8;
	[tilespmem:$0x10100] =	vst v63  }
0x3f: {  	s14 =	simm.s32 $0x6100  }
0x40: {  	[tilespmem:s14], [sflag:$0x1] =	stream.indirect_vreg.gather [hbm4b:s6+s2], $0x80, v3, vm0, $0xb8;
	[tilespmem:$0x10100] =	vst v63  }
0x41: {  	s1 =	simm.s32 $0x6900  }
0x42: {  	[tilespmem:s1], [sflag:$0x1] =	stream.indirect_vreg.gather [hbm4b:s9+s2], $0x80, v3, vm0, $0xb8;
	[tilespmem:$0x10100] =	vst v63  }
0x43: {  	s14 =	simm.s32 $0x7100  }
0x44: {  	[tilespmem:s14], [sflag:$0x1] =	stream.indirect_vreg.gather [hbm4b:s10+s2], $0x80, v3, vm0, $0xb8;
	[tilespmem:$0x10100] =	vst v63  }
0x45: {  	s1 =	simm.s32 $0x7900  }
0x46: {  	[tilespmem:s1], [sflag:$0x1] =	stream.indirect_vreg.gather [hbm4b:s11+s2], $0x80, v3, vm0, $0xb8;
	[tilespmem:$0x10100] =	vst v63  }
0x47: {  	v3 =	vld [tilespmem:$0x80];
	_ =	sdelay $0x4  }
0x48: {  	v62 =	vshll.u32 v3, $0x3  }
0x49: {  	v3 =	vand.u32 $0x7, v3;
	v4 =	vand.u32 $0xFFFFFFC0, v62  }
0x4a: {  	v3 =	vor.u32 v3, v4  }
0x4b: {  	v4 =	vperm.xlane v3, v0;
	_ =	sdelay $0x1  }
0x4c: {  	v4 =	vadd.s32 v1, v4;
	_ =	sdelay $0x4  }
0x4d: {  	[tilespmem:s0], [sflag:$0x2] =	stream.indirect_vreg.gather [hbm4b:s6+s2], $0x80, v4, vm0, $0xb8;
	[tilespmem:$0x10100] =	vst v63  }
0x4e: {  	s14 =	simm.s32 $0x8900;
	v3 =	vperm.xlane v3, v2  }
0x4f: {  	[tilespmem:s14], [sflag:$0x2] =	stream.indirect_vreg.gather [hbm4b:s9+s2], $0x80, v4, vm0, $0xb8;
	[tilespmem:$0x10100] =	vst v63  }
0x50: {  	s1 =	simm.s32 $0x9100;
	v3 =	vadd.s32 v1, v3  }
0x51: {  	[tilespmem:s1], [sflag:$0x2] =	stream.indirect_vreg.gather [hbm4b:s10+s2], $0x80, v4, vm0, $0xb8;
	[tilespmem:$0x10100] =	vst v63  }
0x52: {  	s14 =	simm.s32 $0x9900  }
0x53: {  	[tilespmem:s14], [sflag:$0x2] =	stream.indirect_vreg.gather [hbm4b:s11+s2], $0x80, v4, vm0, $0xb8;
	[tilespmem:$0x10100] =	vst v63  }
0x54: {  	s14 =	simm.s32 $0xA100  }
0x55: {  	[tilespmem:s14], [sflag:$0x2] =	stream.indirect_vreg.gather [hbm4b:s6+s2], $0x80, v3, vm0, $0xb8;
	[tilespmem:$0x10100] =	vst v63  }
0x56: {  	_ = 	snop  }
0x57: {  	[tilespmem:s16], [sflag:$0x2] =	stream.indirect_vreg.gather [hbm4b:s9+s2], $0x80, v3, vm0, $0xb8;
	[tilespmem:$0x10100] =	vst v63  }
0x58: {  	_ = 	snop  }
0x59: {  	[tilespmem:s17], [sflag:$0x2] =	stream.indirect_vreg.gather [hbm4b:s10+s2], $0x80, v3, vm0, $0xb8;
	[tilespmem:$0x10100] =	vst v63  }
0x5a: {  	_ = 	snop  }
0x5b: {  	[tilespmem:s18], [sflag:$0x2] =	stream.indirect_vreg.gather [hbm4b:s11+s2], $0x80, v3, vm0, $0xb8;
	[tilespmem:$0x10100] =	vst v63  }
0x5c: {  	v3 =	vld [tilespmem:$0x90];
	_ =	sdelay $0x4  }
0x5d: {  	v63 =	vshll.u32 v3, $0x3  }
0x5e: {  	v3 =	vand.u32 $0x7, v3;
	v4 =	vand.u32 $0xFFFFFFC0, v63  }
0x5f: {  	v3 =	vor.u32 v3, v4  }
0x60: {  	v4 =	vperm.xlane v3, v0;
	_ =	sdelay $0x1  }
0x61: {  	v4 =	vadd.s32 v1, v4;
	_ =	sdelay $0x4  }
0x62: {  	[tilespmem:s19], [sflag:$0x2] =	stream.indirect_vreg.gather [hbm4b:s6+s2], $0x80, v4, vm0, $0xb8;
	[tilespmem:$0x10100] =	vst v63  }
0x63: {  	v3 =	vperm.xlane v3, v2  }
0x64: {  	[tilespmem:s20], [sflag:$0x2] =	stream.indirect_vreg.gather [hbm4b:s9+s2], $0x80, v4, vm0, $0xb8;
	[tilespmem:$0x10100] =	vst v63  }
0x65: {  	v3 =	vadd.s32 v1, v3  }
0x66: {  	[tilespmem:s21], [sflag:$0x2] =	stream.indirect_vreg.gather [hbm4b:s10+s2], $0x80, v4, vm0, $0xb8;
	[tilespmem:$0x10100] =	vst v63  }
0x67: {  	_ = 	snop  }
0x68: {  	[tilespmem:s22], [sflag:$0x2] =	stream.indirect_vreg.gather [hbm4b:s11+s2], $0x80, v4, vm0, $0xb8;
	[tilespmem:$0x10100] =	vst v63  }
0x69: {  	_ = 	snop  }
0x6a: {  	[tilespmem:s23], [sflag:$0x2] =	stream.indirect_vreg.gather [hbm4b:s6+s2], $0x80, v3, vm0, $0xb8;
	[tilespmem:$0x10100] =	vst v63  }
0x6b: {  	_ = 	snop  }
0x6c: {  	[tilespmem:s24], [sflag:$0x2] =	stream.indirect_vreg.gather [hbm4b:s9+s2], $0x80, v3, vm0, $0xb8;
	[tilespmem:$0x10100] =	vst v63  }
0x6d: {  	_ = 	snop  }
0x6e: {  	[tilespmem:s25], [sflag:$0x2] =	stream.indirect_vreg.gather [hbm4b:s10+s2], $0x80, v3, vm0, $0xb8;
	[tilespmem:$0x10100] =	vst v63  }
0x6f: {  	_ = 	snop  }
0x70: {  	[tilespmem:s26], [sflag:$0x2] =	stream.indirect_vreg.gather [hbm4b:s11+s2], $0x80, v3, vm0, $0xb8;
	[tilespmem:$0x10100] =	vst v63  }
0x71: {  	_ =	swait.ge [sflag:s28], $0x8000  }
0x72: {  	s14 =	sshll.u32 s4, $0x7;
	[sflag:s28] =	ssyncset.done $0x0  }
0x73: {  	s4 =	sadd.s32 s12, s14;
	[sflag:s28] =	ssyncadd.s32 $0xFFFF8000  }
0x74: {  	[hbm4b:s4+s2] =	stream.linear.scatter [tilespmem:s15], [sflag:$0x3], $0x8000, $0x38;
	[tilespmem:$0x10100] =	vst v63  }
0x75: {  	_ =	swait.ge [sflag:s29], $0x8000  }
0x76: {  	[sflag:s29] =	ssyncset.done $0x0  }
0x77: {  	s1 =	sadd.s32 s7, s14;
	[sflag:s29] =	ssyncadd.s32 $0xFFFF8000  }
0x78: {  	[hbm4b:s1+s2] =	stream.linear.scatter [tilespmem:s0], [sflag:$0x4], $0x8000, $0x38;
	[tilespmem:$0x10100] =	vst v63  }
0x79: {  	p1 =	por p0, p0;
	_ =	swait.ge [sflag:s30], $0x8000  }
.Ltmp0:
0x7a: {  	[sflag:s30] =	ssyncset.done $0x0;
	(pc) =	sbr.rel @p1 .LBB2_2-.Ltmp0, $4  }
0x7b: {  	[sflag:s30] =	ssyncadd.s32 $0xFFFF8000  }
0x7c: {  	_ =	swait.ge [sflag:s31], $0x8000  }
0x7d: {  	[sflag:s31] =	ssyncset.done $0x0  }
0x7e: {  	p0 =	por $0x0, $0x0;
	s4 =	simm.s32 $0x20;
	[sflag:s31] =	ssyncadd.s32 $0xFFFF8000  }
0x7f: {  	s4 =	rddreg [dreg:$0x4]  }
0x80: {  	s1 =	rddreg [dreg:$0x3];
	s4 =	sadd.s32 $0x1, s4  }
0x81: {  	p0 =	sne.s32 s4, s1  }
.Ltmp1:
0x82: {  	_ = 	snop;
	(pc) =	sbr.rel @p0 .LBB2_1-.Ltmp1, $1  }
0x83: {  	_ =	sdelay $0x3  }
0x84: {  	_ =	sfence.sel $0x180000  }
0x85: {  	[bflag:$0x0] =	sbarrier.arrive $0xFFFF  }
0x86: {  	_ =	strace $0x9000004A  }
0x87: {  	s0 =	stileid.u32;
	[bflag:$0x2] =	sbarrier.arrive $0xFFFF  }
0x88: {  	p0 =	sne.s32 s0, $0x0;
	s0 =	rddreg [dreg:$0x2]  }
0x89: {  	s0 =	sadd.s32 @!p0 $0x100000, s0  }
0x8a: {  	[sflag:s0] =	ssyncadd.tile.s32 @!p0 $0x1;
	_ =	shalt  }
.Lfunc_end2:
_tile_overlayer_lowered:
.L_overlay_start_2:
0x8b: {  	(tag) =	ssettag $0x2  }
0x8c: {  	s0 =	rddreg [dreg:$0x0];
	s2 =	stileid.u32  }
0x8d: {  	s1 =	rddreg [dreg:$0x1];
	p0 =	sne.s32 s2, $0x0  }
0x8e: {  	s3 =	rddreg [dreg:$0x2];
	[bflag:$0x3] =	sbarrier.arrive $0xFFFF;
	s2 =	simm.s32 @!p0 $0x1C05  }
0x8f: {  	[timem:s3], [sflag:s2] =	dma.local @!p0 [hbm:s0], s1  }
0x90: {  	s0 =	simm.s32 @!p0 $0x5  }
0x91: {  	_ =	swait.ge @!p0 [sflag:s0], s1  }
0x92: {  	s1 =	ssub.s32 @!p0 $0x0, s1;
	[sflag:s0] =	ssyncset.done @!p0 $0x0  }
0x93: {  	[sflag:s0] =	ssyncadd.s32 @!p0 s1  }
0x94: {  	[bflag:$0x3] =	sbarrier.arrive $0xFFFF  }
0x95: {  	_ =	shalt  }

// kernel: kernel.7.cloned.1.call-start
scs
__scs_entry_jumppad:
0x0: {  	(pc) =	sbr.rel $0x88, $3  }
0x1: {  	(tag) =	ssettag $0x0;
	lr =	simm.s32 $0x1  }
0x2: {  	[smem:$0x3F9C] =	sst lr;
	_ =	strace $0xD0000000  }
0x3: {  	_ = 	snop  }
0x4: {  	_ = 	snop  }
0x5: {  	_ = 	snop  }
0x6: {  	_ = 	snop  }
0x7: {  	_ = 	snop  }
__scs_overlays_trampoline_lowered:
0x8: {  	[smem:$0x3FAB] =	sst s0  }
0x9: {  	[smem:$0x3FAC] =	sst s1  }
0xa: {  	[smem:$0x3FAD] =	sst s2  }
0xb: {  	[smem:$0x3FAE] =	sst s3  }
0xc: {  	[smem:$0x3FAF] =	sst s4  }
0xd: {  	[smem:$0x3FB0] =	sst s5  }
0xe: {  	[smem:$0x3FB1] =	sst s6  }
0xf: {  	[smem:$0x3FB2] =	sst s7  }
0x10: {  	[smem:$0x3FB3] =	sst s8  }
0x11: {  	[smem:$0x3FB4] =	sst s9;
	s0 =	simm.s32 @!p0 $0x0  }
0x12: {  	s1 =	sld [smem:$0x3F9A];
	s0 =	simm.s32 @p0 $0x1  }
0x13: {  	[smem:$0x3FB5] =	sst s0;
	s0 =	simm.s32 @!p1 $0x0  }
0x14: {  	s2 =	sld [smem:$0x3F99];
	s0 =	simm.s32 @p1 $0x1  }
0x15: {  	[smem:$0x3FB6] =	sst s0;
	s0 =	simm.s32 @!p2 $0x0  }
0x16: {  	s3 =	sld [smem:$0x3FDB];
	s0 =	simm.s32 @p2 $0x1  }
0x17: {  	s4 =	simm.s32 $0x1BF5;
	[smem:$0x3FB8] =	sst s0  }
0x18: {  	s0 =	sld [smem:$0x3F9B];
	_ =	swait.ge [sflag:s4], $0x0  }
0x19: {  	s7 =	sld [smem:$0x3F9C]  }
0x1a: {  	s8 =	sadd.s32 $0xFFFFE003, lr  }
0x1b: {  	s9 =	sadd.s32 $0xFFFFFEF7, lr;
	s5 =	simm.s32 $0xFFFFFFFF;
	p2 =	slt.u32 s8, $0xFFFFF086  }
0x1c: {  	p1 =	slt.u32 s9, $0xF7A;
	s5 =	simm.s32 @!p2 $0x0  }
0x1d: {  	s5 =	simm.s32 @p1 $0x1;
	p0 =	seq.s32 s7, s2  }
0x1e: {  	s7 =	smul.u32 @!p0 $0xF7A, s2;
	p2 =	seq.s32 @!p0 s5, $0x0  }
0x1f: {  	s9 =	smul.u32 $0xF7A, s1;
	s8 =	simm.s32 @!p0 $0x1BF5;
	p2 =	por !p2, p0  }
0x20: {  	[sflag:s8] =	ssyncset.s32 @!p0 $0xFFFFF086;
	s6 =	sadd.s32 @!p0 s3, s7;
	s7 =	simm.s32 @!p0 $0x108  }
0x21: {  	s3 =	sadd.s32 s3, s9;
	s6 =	sadd.s32 @!p0 $0x88, s6;
	s7 =	simm.s32 @p2 $0x1082  }
0x22: {  	[simem:s7], [sflag:s8] =	dma.local @!p0 [hbm:s6], $0xF7A  }
0x23: {  	s9 =	sor.u32 $0xD0000000, s2;
	s6 =	simm.s32 $0x108;
	_ =	swait.ge @!p0 [sflag:s8], $0x0  }
0x24: {  	s3 =	sadd.s32 $0x88, s3;
	s6 =	simm.s32 @!p1 $0x1082;
	[sflag:s4] =	ssyncset.s32 $0xFFFFF086  }
0x25: {  	[simem:s6], [sflag:s4] =	dma.local [hbm:s3], $0xF7A  }
0x26: {  	[smem:$0x3F9C] =	sst s1;
	(tag) =	ssettag s2;
	_ =	strace s9  }
0x27: {  	s1 =	sld [smem:$0x3FAC]  }
0x28: {  	s2 =	sld [smem:$0x3FAD]  }
0x29: {  	s4 =	sld [smem:$0x3FAF]  }
0x2a: {  	p0 =	seq.s32 s5, $0x0;
	s5 =	sld [smem:$0x3FB0]  }
0x2b: {  	s6 =	sld [smem:$0x3FB1]  }
0x2c: {  	s7 =	sld [smem:$0x3FB2]  }
0x2d: {  	s3 =	simm.s32 $0x108;
	s8 =	sld [smem:$0x3FB3]  }
0x2e: {  	s3 =	simm.s32 @!p0 $0x1082;
	s9 =	sld [smem:$0x3FB4]  }
0x2f: {  	lr =	sadd.s32 s0, s3;
	s0 =	sld [smem:$0x3FAB]  }
0x30: {  	s3 =	sld [smem:$0x3FAE]  }
0x31: {  	[smem:$0x3FB7] =	sst s10  }
0x32: {  	s10 =	sld [smem:$0x3FB5];
	_ =	sdelay $0x3  }
0x33: {  	p0 =	seq.s32 s10, $0x1;
	s10 =	sld [smem:$0x3FB7];
	_ =	sdelay $0x3  }
0x34: {  	[smem:$0x3FB7] =	sst s10  }
0x35: {  	s10 =	sld [smem:$0x3FB6];
	_ =	sdelay $0x3  }
0x36: {  	p1 =	seq.s32 s10, $0x1;
	s10 =	sld [smem:$0x3FB7];
	_ =	sdelay $0x3  }
0x37: {  	[smem:$0x3FB7] =	sst s10  }
0x38: {  	s10 =	sld [smem:$0x3FB8]  }
0x39: {  	_ = 	snop;
	(pc) =	sbr.ind lr, $3  }
0x3a: {  	_ = 	snop  }
0x3b: {  	_ = 	snop  }
0x3c: {  	p2 =	seq.s32 s10, $0x1;
	s10 =	sld [smem:$0x3FB7]  }
0x3d: {  	_ =	shalt  }
0x3e: {  	_ =	shalt  }
0x3f: {  	_ =	shalt  }
0x40: {  	_ =	shalt  }
0x41: {  	_ =	shalt  }
0x42: {  	_ =	shalt  }
0x43: {  	_ =	shalt  }
0x44: {  	_ =	shalt  }
0x45: {  	_ =	shalt  }
0x46: {  	_ =	shalt  }
0x47: {  	_ =	shalt  }
0x48: {  	_ =	shalt  }
0x49: {  	_ =	shalt  }
0x4a: {  	_ =	shalt  }
0x4b: {  	_ =	shalt  }
0x4c: {  	_ =	shalt  }
0x4d: {  	_ =	shalt  }
0x4e: {  	_ =	shalt  }
0x4f: {  	_ =	shalt  }
0x50: {  	_ =	shalt  }
0x51: {  	_ =	shalt  }
0x52: {  	_ =	shalt  }
0x53: {  	_ =	shalt  }
0x54: {  	_ =	shalt  }
0x55: {  	_ =	shalt  }
0x56: {  	_ =	shalt  }
0x57: {  	_ =	shalt  }
0x58: {  	_ =	shalt  }
0x59: {  	_ =	shalt  }
0x5a: {  	_ =	shalt  }
0x5b: {  	_ =	shalt  }
0x5c: {  	_ =	shalt  }
0x5d: {  	_ =	shalt  }
0x5e: {  	_ =	shalt  }
0x5f: {  	_ =	shalt  }
0x60: {  	_ =	shalt  }
0x61: {  	_ =	shalt  }
0x62: {  	_ =	shalt  }
0x63: {  	_ =	shalt  }
0x64: {  	_ =	shalt  }
0x65: {  	_ =	shalt  }
0x66: {  	_ =	shalt  }
0x67: {  	_ =	shalt  }
0x68: {  	_ =	shalt  }
0x69: {  	_ =	shalt  }
0x6a: {  	_ =	shalt  }
0x6b: {  	_ =	shalt  }
0x6c: {  	_ =	shalt  }
0x6d: {  	_ =	shalt  }
0x6e: {  	_ =	shalt  }
0x6f: {  	_ =	shalt  }
0x70: {  	_ =	shalt  }
0x71: {  	_ =	shalt  }
0x72: {  	_ =	shalt  }
0x73: {  	_ =	shalt  }
0x74: {  	_ =	shalt  }
0x75: {  	_ =	shalt  }
0x76: {  	_ =	shalt  }
0x77: {  	_ =	shalt  }
0x78: {  	_ =	shalt  }
0x79: {  	_ =	shalt  }
0x7a: {  	_ =	shalt  }
0x7b: {  	_ =	shalt  }
0x7c: {  	_ =	shalt  }
0x7d: {  	_ =	shalt  }
0x7e: {  	_ =	shalt  }
0x7f: {  	_ =	shalt  }
0x80: {  	_ =	shalt  }
0x81: {  	_ =	shalt  }
0x82: {  	_ =	shalt  }
0x83: {  	_ =	shalt  }
0x84: {  	_ =	shalt  }
0x85: {  	_ =	shalt  }
0x86: {  	_ =	shalt  }
0x87: {  	_ =	shalt  }
.Lfunc_end0:
.L_simem_size_0:
called_computation_lowered:
.L_overlay_start_0:
0x88: {  	s2 =	sld [smem:$0x3FD9]  }
0x89: {  	s3 =	sld [smem:$0x3FFE];
	_ =	sdelay $0x1  }
0x8a: {  	s1 =	srdreg.scid  }
0x8b: {  	s0 =	sand.u32 $0x1, s1  }
0x8c: {  	s14 =	sshll.u32 s0, $0xA;
	s2 =	sadd.s32 s3, s2  }
0x8d: {  	s2 =	sadd.s32 s2, s14  }
0x8e: {  	[smem:$0x3FC3] =	sst s2  }
0x8f: {  	_ = 	snop  }
0x90: {  	s2 =	sld [smem:$0x3FD0];
	_ =	sdelay $0x2  }
0x91: {  	s4 =	simm.s32 $0xA;
	s5 =	simm.s32 $0x10;
	s15 =	sld [smem:$0x3FC9]  }
0x92: {  	[smem:s5], [sflag:s4] =	dma.local [hbm:s2], $0x1  }
0x93: {  	_ =	swait.eq [sflag:s4], $0x1  }
0x94: {  	[sflag:s4] =	ssyncset.done $0x0  }
0x95: {  	s16 =	sld [smem:$0x10];
	[sflag:s4] =	ssyncadd.s32 $0xFFFFFFFF  }
0x96: {  	s17 =	sld [smem:$0x11];
	(tm) =	ssettm $0x1  }
0x97: {  	s18 =	sld [smem:$0x3FFB];
	_ =	sdelay $0x3  }
0x98: {  	_ =	strace s18  }
0x99: {  	s5 =	sld [smem:$0x3FFC];
	_ =	sdelay $0x3  }
0x9a: {  	_ =	strace s5  }
0x9b: {  	s5 =	sld [smem:$0x3FFD];
	_ =	sdelay $0x3  }
0x9c: {  	_ =	strace s5  }
0x9d: {  	_ =	strace $0x8FFFFFFF  }
0x9e: {  	s19 =	sld [smem:$0x3FDB];
	_ =	sdelay $0x1  }
0x9f: {  	s6 =	simm.s32 $_scs_section_size  }
0xa0: {  	s7 =	simm.s32 $_size__tile_overlayer_lowered;
	s8 =	simm.s32 $_tile_overlayer_lowered  }
0xa1: {  	s22 =	simm.s32 $0x1BFF;
	s21 =	sshll.u32 s8, $0x1;
	s5 =	sadd.s32 s6, s19  }
0xa2: {  	s9 =	simm.s32 $0x0;
	s20 =	sshll.u32 s7, $0x1;
	s7 =	sadd.s32 s21, s5  }
0xa3: {  	[timem:s9], [sflag:s22] =	dma.local [hbm:s7], s20  }
0xa4: {  	_ =	swait.ge [sflag:s22], s20  }
0xa5: {  	s6 =	ssub.s32 $0x0, s20;
	[sflag:s22] =	ssyncset.done $0x0  }
0xa6: {  	[sflag:s22] =	ssyncadd.s32 s6;
	_ =	sdelay $0x1  }
0xa7: {  	s23 =	simm.s32 $0x1B8B  }
0xa8: {  	_ =	swait.ge [sflag:s23], $0x1  }
0xa9: {  	[sflag:s23] =	ssyncset.done $0x0  }
0xaa: {  	s25 =	simm.s32 $0x1B8E;
	s24 =	sld [smem:$0x3FFE];
	[sflag:s23] =	ssyncadd.s32 $0xFFFFFFFF  }
0xab: {  	s26 =	simm.s32 $execute0_lowered;
	[smem:$0x3FD2] =	sst s25  }
0xac: {  	s7 =	sshll.u32 s26, $0x1;
	_ =	strace $0x80000046;
	[dreg:$0x1] =	wrdreg $0xFFFFFFFF  }
0xad: {  	s28 =	simm.s32 $_size_execute0_lowered;
	s5 =	sadd.s32 s5, s7;
	[dreg:$0x0] =	wrdreg $0x0  }
0xae: {  	s7 =	sshll.u32 s28, $0x1;
	[dreg:$0x2] =	wrdreg s5  }
0xaf: {  	[dreg:$0x3] =	wrdreg s7  }
0xb0: {  	[dreg:$0x4] =	wrdreg $0xC0  }
0xb1: {  	_ =	task [dreg:s9], $0x5FFFF  }
0xb2: {  	[dreg:$0x1] =	wrdreg $0xFFFFFFFF  }
0xb3: {  	[dreg:$0x0] =	wrdreg $0x60  }
0xb4: {  	[dreg:$0x2] =	wrdreg s17  }
0xb5: {  	[dreg:$0x3] =	wrdreg s16  }
0xb6: {  	[dreg:$0x4] =	wrdreg s15  }
0xb7: {  	[dreg:$0x5] =	wrdreg s24  }
0xb8: {  	[dreg:$0x6] =	wrdreg $0x9  }
0xb9: {  	_ =	task.clear_ibuf [dreg:s9], $0x7FFFF;
	_ =	strace $0x90000046  }
0xba: {  	s29 =	simm.s32 $0x9;
	_ =	strace $0x80000048  }
0xbb: {  	_ =	swait.ge [sflag:s29], $0x1  }
0xbc: {  	[sflag:s29] =	ssyncadd.s32 $0xFFFFFFFF  }
0xbd: {  	_ =	strace $0x90000048  }
0xbe: {  	_ =	sfence  }
0xbf: {  	s30 =	sld [smem:$0x0];
	_ =	sdelay $0x2  }
0xc0: {  	s31 =	sshll.u32 s1, $0xD;
	s1 =	sshrl.u32 s1, $0x2  }
0xc1: {  	s3 =	sand.u32 $0x4000, s31;
	s1 =	sadd.s32 s1, s30  }
0xc2: {  	s0 =	sor.u32 s3, s0;
	s1 =	sshll.u32 s1, $0x11  }
0xc3: {  	s0 =	sor.u32 s1, s0  }
0xc4: {  	s0 =	sadd.s32 $0x8F2B, s0  }
0xc5: {  	[sflag:s0] =	ssyncadd.remote.s32 $0x1  }
0xc6: {  	_ =	sfence.sel $0xFFFF  }
0xc7: {  	[dreg:$0x0] =	wrdreg $0xFFFFFFFF;
	(pc) =	sbr.abs _section_cstart, $3  }
0xc8: {  	[dreg:$0x1] =	wrdreg $0xFFFFFFFF  }
0xc9: {  	_ =	task.clear_ibuf [dreg:s9], $0x2FFFF;
	_ =	strace $0x9FFFFFFF  }
0xca: {  	(tm) =	ssettm $0x7FFFFFFF  }
0xcb: {  	_ =	shalt  }
tec
execute0_lowered:
.L_overlay_start_1:
0x0: {  	(tag) =	ssettag $0x1  }
0x1: {  	s0 =	rddreg [dreg:$0x0]  }
0x2: {  	s1 =	rddreg [dreg:$0x1]  }
0x3: {  	s2 =	rddreg [dreg:$0x2]  }
0x4: {  	s10 =	rddreg [dreg:$0x3];
	s3 =	srdreg.scid  }
0x5: {  	s4 =	stileid.u32;
	s23 =	simm.s32 $0x200;
	s24 =	simm.s32 $0x80  }
0x6: {  	s25 =	simm.s32 $0x280;
	s5 =	sand.u32 $0x1, s3;
	s3 =	simm.s32 $0x0  }
0x7: {  	s26 =	simm.s32 $0x100;
	s28 =	simm.s32 $0x300;
	[smem:$0x7FF] =	sst s3  }
0x8: {  	s30 =	simm.s32 $0x180;
	_ =	strace $0x80000047;
	[dreg:$0xd] =	wrdreg s23  }
0x9: {  	s31 =	simm.s32 $0x380;
	s12 =	simm.s32 $0x5;
	[dreg:$0xe] =	wrdreg s24  }
0xa: {  	s14 =	simm.s32 $0x2C00;
	s15 =	simm.s32 $0x3400;
	[dreg:$0xf] =	wrdreg s25  }
0xb: {  	s4 =	sshll.u32 s4, $0x5;
	s9 =	sadd.s32 $0xE00, s10;
	[dreg:$0x10] =	wrdreg s26  }
0xc: {  	s6 =	sshll.u32 s5, $0x4;
	s5 =	ssub.s32 $0x2, s5;
	[dreg:$0x11] =	wrdreg s28  }
0xd: {  	s6 =	sor.u32 s6, s4;
	s20 =	sshrl.u32 s5, $0x1;
	[dreg:$0x12] =	wrdreg s30  }
0xe: {  	[dreg:$0x13] =	wrdreg s31;
	s25 =	simm.s32 $0x1400;
	s26 =	simm.s32 $0x1C00  }
0xf: {  	s23 =	simm.s32 $0x7400;
	s24 =	simm.s32 $0x7C00;
	s4 =	sadd.s32 s0, s6  }
0x10: {  	s16 =	sadd.s32 s1, s6;
	s7 =	sor.u32 $0x4, s6;
	s8 =	sor.u32 $0x8, s6  }
0x11: {  	s6 =	sor.u32 $0xC, s6;
	s22 =	ssub.s32 s5, s20;
	[dreg:$0x5] =	wrdreg s4  }
0x12: {  	s5 =	sadd.s32 $0x100, s2;
	s20 =	simm.s32 $0x5C00;
	[dreg:$0x6] =	wrdreg s16  }
0x13: {  	s17 =	sadd.s32 s0, s7;
	s7 =	sadd.s32 s1, s7;
	s4 =	sadd.s32 $0xC00, s10  }
0x14: {  	s18 =	sadd.s32 s0, s8;
	s19 =	sadd.s32 s1, s8;
	[dreg:$0x7] =	wrdreg s17  }
0x15: {  	s0 =	sadd.s32 s0, s6;
	s21 =	sadd.s32 s1, s6;
	[dreg:$0x8] =	wrdreg s7  }
0x16: {  	s6 =	sadd.s32 $0x200, s2;
	s8 =	sadd.s32 $0xD00, s10;
	[dreg:$0x9] =	wrdreg s18  }
0x17: {  	s10 =	sadd.s32 $0xF00, s10;
	s29 =	smax.u32 s22, $0x1;
	[dreg:$0xa] =	wrdreg s19  }
0x18: {  	v2 =	vlaneseq.u32;
	s16 =	simm.s32 $0x3C00;
	s22 =	simm.s32 $0x6C00;
	[dreg:$0xb] =	wrdreg s0  }
0x19: {  	vm0 =	vmmov $0xffff;
	v1 =	vshrl.u32 v2, $0x3;
	[dreg:$0xc] =	wrdreg s21;
	s7 =	sadd.s32 $0x300, s2;
	s17 =	simm.s32 $0x4400  }
0x1a: {  	v0 =	vand.u32 $0x7, v2;
	v2 =	vor.u32 $0x8, v2;
	v1 =	vmul.u32 $0x8, v1;
	s18 =	simm.s32 $0x4C00;
	s19 =	simm.s32 $0x5400;
	s21 =	simm.s32 $0x6400  }
.LBB2_1:
0x1b: {  	s30 =	rddreg [dreg:$0x5]  }
0x1c: {  	[tilespmem:s3], [sflag:$0x5] =	stream.linear.gather [hbm4b:s30+s3], $0x20, $0x38;
	[tilespmem:$0x10400] =	vst v63  }
0x1d: {  	_ =	swait.ge [sflag:s12], $0x20  }
0x1e: {  	s0 =	rddreg [dreg:$0x6];
	[sflag:s12] =	ssyncset.done $0x0  }
0x1f: {  	s31 =	rddreg [dreg:$0xd];
	[sflag:s12] =	ssyncadd.s32 $0xFFFFFFE0  }
0x20: {  	[tilespmem:s31], [sflag:$0x5] =	stream.linear.gather [hbm4b:s0+s3], $0x20, $0x38;
	[tilespmem:$0x10400] =	vst v63  }
0x21: {  	_ =	swait.ge [sflag:s12], $0x20  }
0x22: {  	s1 =	rddreg [dreg:$0x7];
	[sflag:s12] =	ssyncset.done $0x0  }
0x23: {  	s11 =	rddreg [dreg:$0xe];
	[sflag:s12] =	ssyncadd.s32 $0xFFFFFFE0  }
0x24: {  	[tilespmem:s11], [sflag:$0x5] =	stream.linear.gather [hbm4b:s1+s3], $0x20, $0x38;
	[tilespmem:$0x10400] =	vst v63  }
0x25: {  	_ =	swait.ge [sflag:s12], $0x20  }
0x26: {  	s13 =	rddreg [dreg:$0x8];
	[sflag:s12] =	ssyncset.done $0x0  }
0x27: {  	s28 =	rddreg [dreg:$0xf];
	[sflag:s12] =	ssyncadd.s32 $0xFFFFFFE0  }
0x28: {  	[tilespmem:s28], [sflag:$0x5] =	stream.linear.gather [hbm4b:s13+s3], $0x20, $0x38;
	[tilespmem:$0x10400] =	vst v63  }
0x29: {  	_ =	swait.ge [sflag:s12], $0x20  }
0x2a: {  	s0 =	rddreg [dreg:$0x9];
	[sflag:s12] =	ssyncset.done $0x0  }
0x2b: {  	s1 =	rddreg [dreg:$0x10];
	[sflag:s12] =	ssyncadd.s32 $0xFFFFFFE0  }
0x2c: {  	[tilespmem:s1], [sflag:$0x5] =	stream.linear.gather [hbm4b:s0+s3], $0x20, $0x38;
	[tilespmem:$0x10400] =	vst v63  }
0x2d: {  	_ =	swait.ge [sflag:s12], $0x20  }
0x2e: {  	s11 =	rddreg [dreg:$0xa];
	[sflag:s12] =	ssyncset.done $0x0  }
0x2f: {  	s13 =	rddreg [dreg:$0x11];
	[sflag:s12] =	ssyncadd.s32 $0xFFFFFFE0  }
0x30: {  	[tilespmem:s13], [sflag:$0x5] =	stream.linear.gather [hbm4b:s11+s3], $0x20, $0x38;
	[tilespmem:$0x10400] =	vst v63  }
0x31: {  	_ =	swait.ge [sflag:s12], $0x20  }
0x32: {  	s28 =	rddreg [dreg:$0xb];
	[sflag:s12] =	ssyncset.done $0x0  }
0x33: {  	s0 =	rddreg [dreg:$0x12];
	[sflag:s12] =	ssyncadd.s32 $0xFFFFFFE0  }
0x34: {  	[tilespmem:s0], [sflag:$0x5] =	stream.linear.gather [hbm4b:s28+s3], $0x20, $0x38;
	[tilespmem:$0x10400] =	vst v63  }
0x35: {  	_ =	swait.ge [sflag:s12], $0x20  }
0x36: {  	s1 =	rddreg [dreg:$0xc];
	[sflag:s12] =	ssyncset.done $0x0  }
0x37: {  	s11 =	rddreg [dreg:$0x13];
	[sflag:s12] =	ssyncadd.s32 $0xFFFFFFE0  }
0x38: {  	[tilespmem:s11], [sflag:$0x5] =	stream.linear.gather [hbm4b:s1+s3], $0x20, $0x38;
	[tilespmem:$0x10400] =	vst v63  }
0x39: {  	_ =	swait.ge [sflag:s12], $0x20  }
0x3a: {  	[sflag:s12] =	ssyncset.done $0x0  }
0x3b: {  	[sflag:s12] =	ssyncadd.s32 $0xFFFFFFE0  }
0x3c: {  	v3 =	vld [tilespmem:$0x200];
	_ =	sdelay $0x4  }
0x3d: {  	v4 =	vshll.u32 v3, $0x3  }
0x3e: {  	v3 =	vand.u32 $0x7, v3;
	v4 =	vand.u32 $0xFFFFFFC0, v4  }
0x3f: {  	v3 =	vor.u32 v3, v4  }
0x40: {  	v4 =	vperm.xlane v3, v0;
	_ =	sdelay $0x1  }
0x41: {  	v4 =	vadd.s32 v1, v4;
	_ =	sdelay $0x3  }
0x42: {  	s30 =	simm.s32 $0x400  }
0x43: {  	[tilespmem:s30], [sflag:$0x1] =	stream.indirect_vreg.gather [hbm4b:s2+s3], $0x80, v4, vm0, $0xb8;
	[tilespmem:$0x10400] =	vst v63  }
0x44: {  	s31 =	simm.s32 $0xC00;
	v3 =	vperm.xlane v3, v2  }
0x45: {  	[tilespmem:s31], [sflag:$0x1] =	stream.indirect_vreg.gather [hbm4b:s5+s3], $0x80, v4, vm0, $0xb8;
	[tilespmem:$0x10400] =	vst v63  }
0x46: {  	v3 =	vadd.s32 v1, v3  }
0x47: {  	[tilespmem:s25], [sflag:$0x1] =	stream.indirect_vreg.gather [hbm4b:s6+s3], $0x80, v4, vm0, $0xb8;
	[tilespmem:$0x10400] =	vst v63  }
0x48: {  	_ = 	snop  }
0x49: {  	[tilespmem:s26], [sflag:$0x1] =	stream.indirect_vreg.gather [hbm4b:s7+s3], $0x80, v4, vm0, $0xb8;
	[tilespmem:$0x10400] =	vst v63  }
0x4a: {  	s0 =	simm.s32 $0x2400  }
0x4b: {  	[tilespmem:s0], [sflag:$0x1] =	stream.indirect_vreg.gather [hbm4b:s2+s3], $0x80, v3, vm0, $0xb8;
	[tilespmem:$0x10400] =	vst v63  }
0x4c: {  	_ = 	snop  }
0x4d: {  	[tilespmem:s14], [sflag:$0x1] =	stream.indirect_vreg.gather [hbm4b:s5+s3], $0x80, v3, vm0, $0xb8;
	[tilespmem:$0x10400] =	vst v63  }
0x4e: {  	_ = 	snop  }
0x4f: {  	[tilespmem:s15], [sflag:$0x1] =	stream.indirect_vreg.gather [hbm4b:s6+s3], $0x80, v3, vm0, $0xb8;
	[tilespmem:$0x10400] =	vst v63  }
0x50: {  	_ = 	snop  }
0x51: {  	[tilespmem:s16], [sflag:$0x1] =	stream.indirect_vreg.gather [hbm4b:s7+s3], $0x80, v3, vm0, $0xb8;
	[tilespmem:$0x10400] =	vst v63  }
0x52: {  	v3 =	vld [tilespmem:$0x210];
	_ =	sdelay $0x4  }
0x53: {  	v49 =	vshll.u32 v3, $0x3  }
0x54: {  	v3 =	vand.u32 $0x7, v3;
	v4 =	vand.u32 $0xFFFFFFC0, v49  }
0x55: {  	v3 =	vor.u32 v3, v4  }
0x56: {  	v4 =	vperm.xlane v3, v0;
	_ =	sdelay $0x1  }
0x57: {  	v4 =	vadd.s32 v1, v4;
	_ =	sdelay $0x4  }
0x58: {  	[tilespmem:s17], [sflag:$0x1] =	stream.indirect_vreg.gather [hbm4b:s2+s3], $0x80, v4, vm0, $0xb8;
	[tilespmem:$0x10400] =	vst v63  }
0x59: {  	v3 =	vperm.xlane v3, v2  }
0x5a: {  	[tilespmem:s18], [sflag:$0x1] =	stream.indirect_vreg.gather [hbm4b:s5+s3], $0x80, v4, vm0, $0xb8;
	[tilespmem:$0x10400] =	vst v63  }
0x5b: {  	v3 =	vadd.s32 v1, v3  }
0x5c: {  	[tilespmem:s19], [sflag:$0x1] =	stream.indirect_vreg.gather [hbm4b:s6+s3], $0x80, v4, vm0, $0xb8;
	[tilespmem:$0x10400] =	vst v63  }
0x5d: {  	_ = 	snop  }
0x5e: {  	[tilespmem:s20], [sflag:$0x1] =	stream.indirect_vreg.gather [hbm4b:s7+s3], $0x80, v4, vm0, $0xb8;
	[tilespmem:$0x10400] =	vst v63  }
0x5f: {  	_ = 	snop  }
0x60: {  	[tilespmem:s21], [sflag:$0x1] =	stream.indirect_vreg.gather [hbm4b:s2+s3], $0x80, v3, vm0, $0xb8;
	[tilespmem:$0x10400] =	vst v63  }
0x61: {  	_ = 	snop  }
0x62: {  	[tilespmem:s22], [sflag:$0x1] =	stream.indirect_vreg.gather [hbm4b:s5+s3], $0x80, v3, vm0, $0xb8;
	[tilespmem:$0x10400] =	vst v63  }
0x63: {  	_ = 	snop  }
0x64: {  	[tilespmem:s23], [sflag:$0x1] =	stream.indirect_vreg.gather [hbm4b:s6+s3], $0x80, v3, vm0, $0xb8;
	[tilespmem:$0x10400] =	vst v63  }
0x65: {  	_ = 	snop  }
0x66: {  	[tilespmem:s24], [sflag:$0x1] =	stream.indirect_vreg.gather [hbm4b:s7+s3], $0x80, v3, vm0, $0xb8;
	[tilespmem:$0x10400] =	vst v63  }
0x67: {  	v3 =	vld [tilespmem:$0x280];
	_ =	sdelay $0x4  }
0x68: {  	v50 =	vshll.u32 v3, $0x3  }
0x69: {  	v3 =	vand.u32 $0x7, v3;
	v4 =	vand.u32 $0xFFFFFFC0, v50  }
0x6a: {  	v3 =	vor.u32 v3, v4  }
0x6b: {  	v4 =	vperm.xlane v3, v0;
	_ =	sdelay $0x1  }
0x6c: {  	v4 =	vadd.s32 v1, v4;
	_ =	sdelay $0x3  }
0x6d: {  	s13 =	simm.s32 $0x8400  }
0x6e: {  	[tilespmem:s13], [sflag:$0x2] =	stream.indirect_vreg.gather [hbm4b:s2+s3], $0x80, v4, vm0, $0xb8;
	[tilespmem:$0x10400] =	vst v63  }
0x6f: {  	s28 =	simm.s32 $0x8C00;
	v3 =	vperm.xlane v3, v2  }
0x70: {  	[tilespmem:s28], [sflag:$0x2] =	stream.indirect_vreg.gather [hbm4b:s5+s3], $0x80, v4, vm0, $0xb8;
	[tilespmem:$0x10400] =	vst v63  }
0x71: {  	v3 =	vadd.s32 v1, v3;
	s13 =	simm.s32 $0x9400  }
0x72: {  	[tilespmem:s13], [sflag:$0x2] =	stream.indirect_vreg.gather [hbm4b:s6+s3], $0x80, v4, vm0, $0xb8;
	[tilespmem:$0x10400] =	vst v63  }
0x73: {  	s13 =	simm.s32 $0x9C00  }
0x74: {  	[tilespmem:s13], [sflag:$0x2] =	stream.indirect_vreg.gather [hbm4b:s7+s3], $0x80, v4, vm0, $0xb8;
	[tilespmem:$0x10400] =	vst v63  }
0x75: {  	s13 =	simm.s32 $0xA400  }
0x76: {  	[tilespmem:s13], [sflag:$0x2] =	stream.indirect_vreg.gather [hbm4b:s2+s3], $0x80, v3, vm0, $0xb8;
	[tilespmem:$0x10400] =	vst v63  }
0x77: {  	s13 =	simm.s32 $0xAC00  }
0x78: {  	[tilespmem:s13], [sflag:$0x2] =	stream.indirect_vreg.gather [hbm4b:s5+s3], $0x80, v3, vm0, $0xb8;
	[tilespmem:$0x10400] =	vst v63  }
0x79: {  	s13 =	simm.s32 $0xB400  }
0x7a: {  	[tilespmem:s13], [sflag:$0x2] =	stream.indirect_vreg.gather [hbm4b:s6+s3], $0x80, v3, vm0, $0xb8;
	[tilespmem:$0x10400] =	vst v63  }
0x7b: {  	s13 =	simm.s32 $0xBC00  }
0x7c: {  	[tilespmem:s13], [sflag:$0x2] =	stream.indirect_vreg.gather [hbm4b:s7+s3], $0x80, v3, vm0, $0xb8;
	[tilespmem:$0x10400] =	vst v63  }
0x7d: {  	v3 =	vld [tilespmem:$0x290];
	_ =	sdelay $0x4  }
0x7e: {  	v51 =	vshll.u32 v3, $0x3  }
0x7f: {  	v3 =	vand.u32 $0x7, v3;
	v4 =	vand.u32 $0xFFFFFFC0, v51  }
0x80: {  	v3 =	vor.u32 v3, v4  }
0x81: {  	v4 =	vperm.xlane v3, v0;
	_ =	sdelay $0x1  }
0x82: {  	v4 =	vadd.s32 v1, v4;
	_ =	sdelay $0x3  }
0x83: {  	s13 =	simm.s32 $0xC400  }
0x84: {  	[tilespmem:s13], [sflag:$0x2] =	stream.indirect_vreg.gather [hbm4b:s2+s3], $0x80, v4, vm0, $0xb8;
	[tilespmem:$0x10400] =	vst v63  }
0x85: {  	v3 =	vperm.xlane v3, v2;
	s13 =	simm.s32 $0xCC00  }
0x86: {  	[tilespmem:s13], [sflag:$0x2] =	stream.indirect_vreg.gather [hbm4b:s5+s3], $0x80, v4, vm0, $0xb8;
	[tilespmem:$0x10400] =	vst v63  }
0x87: {  	v3 =	vadd.s32 v1, v3;
	s13 =	simm.s32 $0xD400  }
0x88: {  	[tilespmem:s13], [sflag:$0x2] =	stream.indirect_vreg.gather [hbm4b:s6+s3], $0x80, v4, vm0, $0xb8;
	[tilespmem:$0x10400] =	vst v63  }
0x89: {  	s13 =	simm.s32 $0xDC00  }
0x8a: {  	[tilespmem:s13], [sflag:$0x2] =	stream.indirect_vreg.gather [hbm4b:s7+s3], $0x80, v4, vm0, $0xb8;
	[tilespmem:$0x10400] =	vst v63  }
0x8b: {  	s13 =	simm.s32 $0xE400  }
0x8c: {  	[tilespmem:s13], [sflag:$0x2] =	stream.indirect_vreg.gather [hbm4b:s2+s3], $0x80, v3, vm0, $0xb8;
	[tilespmem:$0x10400] =	vst v63  }
0x8d: {  	s13 =	simm.s32 $0xEC00  }
0x8e: {  	[tilespmem:s13], [sflag:$0x2] =	stream.indirect_vreg.gather [hbm4b:s5+s3], $0x80, v3, vm0, $0xb8;
	[tilespmem:$0x10400] =	vst v63  }
0x8f: {  	s13 =	simm.s32 $0xF400  }
0x90: {  	[tilespmem:s13], [sflag:$0x2] =	stream.indirect_vreg.gather [hbm4b:s6+s3], $0x80, v3, vm0, $0xb8;
	[tilespmem:$0x10400] =	vst v63  }
0x91: {  	s0 =	simm.s32 $0x1;
	s13 =	simm.s32 $0xFC00  }
0x92: {  	[tilespmem:s13], [sflag:$0x2] =	stream.indirect_vreg.gather [hbm4b:s7+s3], $0x80, v3, vm0, $0xb8;
	[tilespmem:$0x10400] =	vst v63  }
0x93: {  	_ =	swait.ge [sflag:s0], $0x8000  }
0x94: {  	[sflag:s0] =	ssyncset.done $0x0  }
0x95: {  	[sflag:s0] =	ssyncadd.s32 $0xFFFF8000  }
0x96: {  	v3 =	vld [tilespmem:$0x0];
	_ =	sdelay $0x4  }
0x97: {  	v52 =	vshll.u32 v3, $0x3  }
0x98: {  	v3 =	vand.u32 $0x7, v3;
	v4 =	vand.u32 $0xFFFFFFC0, v52  }
0x99: {  	v3 =	vor.u32 v3, v4  }
0x9a: {  	v4 =	vperm.xlane v3, v0;
	_ =	sdelay $0x1  }
0x9b: {  	v4 =	vadd.s32 v1, v4;
	_ =	sdelay $0x4  }
0x9c: {  	[hbm4b:s4+s3] =	stream.indirect_vreg.scatter [tilespmem:s30], [sflag:$0x3], $0x80, v4, vm0, $0xb8;
	[tilespmem:$0x10400] =	vst v63  }
0x9d: {  	v3 =	vperm.xlane v3, v2  }
0x9e: {  	[hbm4b:s8+s3] =	stream.indirect_vreg.scatter [tilespmem:s31], [sflag:$0x3], $0x80, v4, vm0, $0xb8;
	[tilespmem:$0x10400] =	vst v63  }
0x9f: {  	v3 =	vadd.s32 v1, v3  }
0xa0: {  	[hbm4b:s9+s3] =	stream.indirect_vreg.scatter [tilespmem:s25], [sflag:$0x3], $0x80, v4, vm0, $0xb8;
	[tilespmem:$0x10400] =	vst v63  }
0xa1: {  	_ = 	snop  }
0xa2: {  	[hbm4b:s10+s3] =	stream.indirect_vreg.scatter [tilespmem:s26], [sflag:$0x3], $0x80, v4, vm0, $0xb8;
	[tilespmem:$0x10400] =	vst v63  }
0xa3: {  	s1 =	simm.s32 $0x2400  }
0xa4: {  	[hbm4b:s4+s3] =	stream.indirect_vreg.scatter [tilespmem:s1], [sflag:$0x3], $0x80, v3, vm0, $0xb8;
	[tilespmem:$0x10400] =	vst v63  }
0xa5: {  	_ = 	snop  }
0xa6: {  	[hbm4b:s8+s3] =	stream.indirect_vreg.scatter [tilespmem:s14], [sflag:$0x3], $0x80, v3, vm0, $0xb8;
	[tilespmem:$0x10400] =	vst v63  }
0xa7: {  	_ = 	snop  }
0xa8: {  	[hbm4b:s9+s3] =	stream.indirect_vreg.scatter [tilespmem:s15], [sflag:$0x3], $0x80, v3, vm0, $0xb8;
	[tilespmem:$0x10400] =	vst v63  }
0xa9: {  	_ = 	snop  }
0xaa: {  	[hbm4b:s10+s3] =	stream.indirect_vreg.scatter [tilespmem:s16], [sflag:$0x3], $0x80, v3, vm0, $0xb8;
	[tilespmem:$0x10400] =	vst v63  }
0xab: {  	v3 =	vld [tilespmem:$0x10];
	_ =	sdelay $0x4  }
0xac: {  	v53 =	vshll.u32 v3, $0x3  }
0xad: {  	v3 =	vand.u32 $0x7, v3;
	v4 =	vand.u32 $0xFFFFFFC0, v53  }
0xae: {  	v3 =	vor.u32 v3, v4  }
0xaf: {  	v4 =	vperm.xlane v3, v0;
	_ =	sdelay $0x1  }
0xb0: {  	v4 =	vadd.s32 v1, v4;
	_ =	sdelay $0x4  }
0xb1: {  	[hbm4b:s4+s3] =	stream.indirect_vreg.scatter [tilespmem:s17], [sflag:$0x3], $0x80, v4, vm0, $0xb8;
	[tilespmem:$0x10400] =	vst v63  }
0xb2: {  	v3 =	vperm.xlane v3, v2  }
0xb3: {  	[hbm4b:s8+s3] =	stream.indirect_vreg.scatter [tilespmem:s18], [sflag:$0x3], $0x80, v4, vm0, $0xb8;
	[tilespmem:$0x10400] =	vst v63  }
0xb4: {  	v3 =	vadd.s32 v1, v3  }
0xb5: {  	[hbm4b:s9+s3] =	stream.indirect_vreg.scatter [tilespmem:s19], [sflag:$0x3], $0x80, v4, vm0, $0xb8;
	[tilespmem:$0x10400] =	vst v63  }
0xb6: {  	_ = 	snop  }
0xb7: {  	[hbm4b:s10+s3] =	stream.indirect_vreg.scatter [tilespmem:s20], [sflag:$0x3], $0x80, v4, vm0, $0xb8;
	[tilespmem:$0x10400] =	vst v63  }
0xb8: {  	_ = 	snop  }
0xb9: {  	[hbm4b:s4+s3] =	stream.indirect_vreg.scatter [tilespmem:s21], [sflag:$0x3], $0x80, v3, vm0, $0xb8;
	[tilespmem:$0x10400] =	vst v63  }
0xba: {  	_ = 	snop  }
0xbb: {  	[hbm4b:s8+s3] =	stream.indirect_vreg.scatter [tilespmem:s22], [sflag:$0x3], $0x80, v3, vm0, $0xb8;
	[tilespmem:$0x10400] =	vst v63  }
0xbc: {  	_ = 	snop  }
0xbd: {  	[hbm4b:s9+s3] =	stream.indirect_vreg.scatter [tilespmem:s23], [sflag:$0x3], $0x80, v3, vm0, $0xb8;
	[tilespmem:$0x10400] =	vst v63  }
0xbe: {  	s1 =	simm.s32 $0x2  }
0xbf: {  	[hbm4b:s10+s3] =	stream.indirect_vreg.scatter [tilespmem:s24], [sflag:$0x3], $0x80, v3, vm0, $0xb8;
	[tilespmem:$0x10400] =	vst v63  }
0xc0: {  	_ =	swait.ge [sflag:s1], $0x8000  }
0xc1: {  	[sflag:s1] =	ssyncset.done $0x0  }
0xc2: {  	[sflag:s1] =	ssyncadd.s32 $0xFFFF8000  }
0xc3: {  	v3 =	vld [tilespmem:$0x80];
	_ =	sdelay $0x4  }
0xc4: {  	v54 =	vshll.u32 v3, $0x3  }
0xc5: {  	v3 =	vand.u32 $0x7, v3;
	v4 =	vand.u32 $0xFFFFFFC0, v54  }
0xc6: {  	v3 =	vor.u32 v3, v4  }
0xc7: {  	v4 =	vperm.xlane v3, v0;
	_ =	sdelay $0x1  }
0xc8: {  	v4 =	vadd.s32 v1, v4;
	_ =	sdelay $0x3  }
0xc9: {  	s11 =	simm.s32 $0x8400  }
0xca: {  	[hbm4b:s4+s3] =	stream.indirect_vreg.scatter [tilespmem:s11], [sflag:$0x4], $0x80, v4, vm0, $0xb8;
	[tilespmem:$0x10400] =	vst v63  }
0xcb: {  	s28 =	simm.s32 $0x8C00;
	v3 =	vperm.xlane v3, v2  }
0xcc: {  	[hbm4b:s8+s3] =	stream.indirect_vreg.scatter [tilespmem:s28], [sflag:$0x4], $0x80, v4, vm0, $0xb8;
	[tilespmem:$0x10400] =	vst v63  }
0xcd: {  	v3 =	vadd.s32 v1, v3;
	s28 =	simm.s32 $0x9400  }
0xce: {  	[hbm4b:s9+s3] =	stream.indirect_vreg.scatter [tilespmem:s28], [sflag:$0x4], $0x80, v4, vm0, $0xb8;
	[tilespmem:$0x10400] =	vst v63  }
0xcf: {  	s28 =	simm.s32 $0x9C00  }
0xd0: {  	[hbm4b:s10+s3] =	stream.indirect_vreg.scatter [tilespmem:s28], [sflag:$0x4], $0x80, v4, vm0, $0xb8;
	[tilespmem:$0x10400] =	vst v63  }
0xd1: {  	s28 =	simm.s32 $0xA400  }
0xd2: {  	[hbm4b:s4+s3] =	stream.indirect_vreg.scatter [tilespmem:s28], [sflag:$0x4], $0x80, v3, vm0, $0xb8;
	[tilespmem:$0x10400] =	vst v63  }
0xd3: {  	s28 =	simm.s32 $0xAC00  }
0xd4: {  	[hbm4b:s8+s3] =	stream.indirect_vreg.scatter [tilespmem:s28], [sflag:$0x4], $0x80, v3, vm0, $0xb8;
	[tilespmem:$0x10400] =	vst v63  }
0xd5: {  	s28 =	simm.s32 $0xB400  }
0xd6: {  	[hbm4b:s9+s3] =	stream.indirect_vreg.scatter [tilespmem:s28], [sflag:$0x4], $0x80, v3, vm0, $0xb8;
	[tilespmem:$0x10400] =	vst v63  }
0xd7: {  	s28 =	simm.s32 $0xBC00  }
0xd8: {  	[hbm4b:s10+s3] =	stream.indirect_vreg.scatter [tilespmem:s28], [sflag:$0x4], $0x80, v3, vm0, $0xb8;
	[tilespmem:$0x10400] =	vst v63  }
0xd9: {  	v3 =	vld [tilespmem:$0x90];
	_ =	sdelay $0x4  }
0xda: {  	v55 =	vshll.u32 v3, $0x3  }
0xdb: {  	v3 =	vand.u32 $0x7, v3;
	v4 =	vand.u32 $0xFFFFFFC0, v55  }
0xdc: {  	v3 =	vor.u32 v3, v4  }
0xdd: {  	v4 =	vperm.xlane v3, v0;
	_ =	sdelay $0x1  }
0xde: {  	v4 =	vadd.s32 v1, v4;
	_ =	sdelay $0x3  }
0xdf: {  	s28 =	simm.s32 $0xC400  }
0xe0: {  	[hbm4b:s4+s3] =	stream.indirect_vreg.scatter [tilespmem:s28], [sflag:$0x4], $0x80, v4, vm0, $0xb8;
	[tilespmem:$0x10400] =	vst v63  }
0xe1: {  	v3 =	vperm.xlane v3, v2;
	s28 =	simm.s32 $0xCC00  }
0xe2: {  	[hbm4b:s8+s3] =	stream.indirect_vreg.scatter [tilespmem:s28], [sflag:$0x4], $0x80, v4, vm0, $0xb8;
	[tilespmem:$0x10400] =	vst v63  }
0xe3: {  	v3 =	vadd.s32 v1, v3;
	s28 =	simm.s32 $0xD400  }
0xe4: {  	[hbm4b:s9+s3] =	stream.indirect_vreg.scatter [tilespmem:s28], [sflag:$0x4], $0x80, v4, vm0, $0xb8;
	[tilespmem:$0x10400] =	vst v63  }
0xe5: {  	s28 =	simm.s32 $0xDC00  }
0xe6: {  	[hbm4b:s10+s3] =	stream.indirect_vreg.scatter [tilespmem:s28], [sflag:$0x4], $0x80, v4, vm0, $0xb8;
	[tilespmem:$0x10400] =	vst v63  }
0xe7: {  	s28 =	simm.s32 $0xE400  }
0xe8: {  	[hbm4b:s4+s3] =	stream.indirect_vreg.scatter [tilespmem:s28], [sflag:$0x4], $0x80, v3, vm0, $0xb8;
	[tilespmem:$0x10400] =	vst v63  }
0xe9: {  	s28 =	simm.s32 $0xEC00  }
0xea: {  	[hbm4b:s8+s3] =	stream.indirect_vreg.scatter [tilespmem:s28], [sflag:$0x4], $0x80, v3, vm0, $0xb8;
	[tilespmem:$0x10400] =	vst v63  }
0xeb: {  	s28 =	simm.s32 $0xF400  }
0xec: {  	[hbm4b:s9+s3] =	stream.indirect_vreg.scatter [tilespmem:s28], [sflag:$0x4], $0x80, v3, vm0, $0xb8;
	[tilespmem:$0x10400] =	vst v63  }
0xed: {  	s11 =	simm.s32 $0x3;
	s28 =	simm.s32 $0xFC00  }
0xee: {  	[hbm4b:s10+s3] =	stream.indirect_vreg.scatter [tilespmem:s28], [sflag:$0x4], $0x80, v3, vm0, $0xb8;
	[tilespmem:$0x10400] =	vst v63  }
0xef: {  	_ =	swait.ge [sflag:s11], $0x8000  }
0xf0: {  	[sflag:s11] =	ssyncset.done $0x0  }
0xf1: {  	[sflag:s11] =	ssyncadd.s32 $0xFFFF8000  }
0xf2: {  	v3 =	vld [tilespmem:$0x300];
	_ =	sdelay $0x4  }
0xf3: {  	v56 =	vshll.u32 v3, $0x3  }
0xf4: {  	v3 =	vand.u32 $0x7, v3;
	v4 =	vand.u32 $0xFFFFFFC0, v56  }
0xf5: {  	v3 =	vor.u32 v3, v4  }
0xf6: {  	v4 =	vperm.xlane v3, v0;
	_ =	sdelay $0x1  }
0xf7: {  	v4 =	vadd.s32 v1, v4;
	_ =	sdelay $0x4  }
0xf8: {  	[tilespmem:s30], [sflag:$0x1] =	stream.indirect_vreg.gather [hbm4b:s2+s3], $0x80, v4, vm0, $0xb8;
	[tilespmem:$0x10400] =	vst v63  }
0xf9: {  	v3 =	vperm.xlane v3, v2  }
0xfa: {  	[tilespmem:s31], [sflag:$0x1] =	stream.indirect_vreg.gather [hbm4b:s5+s3], $0x80, v4, vm0, $0xb8;
	[tilespmem:$0x10400] =	vst v63  }
0xfb: {  	v3 =	vadd.s32 v1, v3  }
0xfc: {  	[tilespmem:s25], [sflag:$0x1] =	stream.indirect_vreg.gather [hbm4b:s6+s3], $0x80, v4, vm0, $0xb8;
	[tilespmem:$0x10400] =	vst v63  }
0xfd: {  	_ = 	snop  }
0xfe: {  	[tilespmem:s26], [sflag:$0x1] =	stream.indirect_vreg.gather [hbm4b:s7+s3], $0x80, v4, vm0, $0xb8;
	[tilespmem:$0x10400] =	vst v63  }
0xff: {  	s13 =	simm.s32 $0x2400  }
0x100: {  	[tilespmem:s13], [sflag:$0x1] =	stream.indirect_vreg.gather [hbm4b:s2+s3], $0x80, v3, vm0, $0xb8;
	[tilespmem:$0x10400] =	vst v63  }
0x101: {  	_ = 	snop  }
0x102: {  	[tilespmem:s14], [sflag:$0x1] =	stream.indirect_vreg.gather [hbm4b:s5+s3], $0x80, v3, vm0, $0xb8;
	[tilespmem:$0x10400] =	vst v63  }
0x103: {  	_ = 	snop  }
0x104: {  	[tilespmem:s15], [sflag:$0x1] =	stream.indirect_vreg.gather [hbm4b:s6+s3], $0x80, v3, vm0, $0xb8;
	[tilespmem:$0x10400] =	vst v63  }
0x105: {  	_ = 	snop  }
0x106: {  	[tilespmem:s16], [sflag:$0x1] =	stream.indirect_vreg.gather [hbm4b:s7+s3], $0x80, v3, vm0, $0xb8;
	[tilespmem:$0x10400] =	vst v63  }
0x107: {  	v3 =	vld [tilespmem:$0x310];
	_ =	sdelay $0x4  }
0x108: {  	v57 =	vshll.u32 v3, $0x3  }
0x109: {  	v3 =	vand.u32 $0x7, v3;
	v4 =	vand.u32 $0xFFFFFFC0, v57  }
0x10a: {  	v3 =	vor.u32 v3, v4  }
0x10b: {  	v4 =	vperm.xlane v3, v0;
	_ =	sdelay $0x1  }
0x10c: {  	v4 =	vadd.s32 v1, v4;
	_ =	sdelay $0x4  }
0x10d: {  	[tilespmem:s17], [sflag:$0x1] =	stream.indirect_vreg.gather [hbm4b:s2+s3], $0x80, v4, vm0, $0xb8;
	[tilespmem:$0x10400] =	vst v63  }
0x10e: {  	v3 =	vperm.xlane v3, v2  }
0x10f: {  	[tilespmem:s18], [sflag:$0x1] =	stream.indirect_vreg.gather [hbm4b:s5+s3], $0x80, v4, vm0, $0xb8;
	[tilespmem:$0x10400] =	vst v63  }
0x110: {  	v3 =	vadd.s32 v1, v3  }
0x111: {  	[tilespmem:s19], [sflag:$0x1] =	stream.indirect_vreg.gather [hbm4b:s6+s3], $0x80, v4, vm0, $0xb8;
	[tilespmem:$0x10400] =	vst v63  }
0x112: {  	_ = 	snop  }
0x113: {  	[tilespmem:s20], [sflag:$0x1] =	stream.indirect_vreg.gather [hbm4b:s7+s3], $0x80, v4, vm0, $0xb8;
	[tilespmem:$0x10400] =	vst v63  }
0x114: {  	_ = 	snop  }
0x115: {  	[tilespmem:s21], [sflag:$0x1] =	stream.indirect_vreg.gather [hbm4b:s2+s3], $0x80, v3, vm0, $0xb8;
	[tilespmem:$0x10400] =	vst v63  }
0x116: {  	_ = 	snop  }
0x117: {  	[tilespmem:s22], [sflag:$0x1] =	stream.indirect_vreg.gather [hbm4b:s5+s3], $0x80, v3, vm0, $0xb8;
	[tilespmem:$0x10400] =	vst v63  }
0x118: {  	_ = 	snop  }
0x119: {  	[tilespmem:s23], [sflag:$0x1] =	stream.indirect_vreg.gather [hbm4b:s6+s3], $0x80, v3, vm0, $0xb8;
	[tilespmem:$0x10400] =	vst v63  }
0x11a: {  	s28 =	simm.s32 $0x4  }
0x11b: {  	[tilespmem:s24], [sflag:$0x1] =	stream.indirect_vreg.gather [hbm4b:s7+s3], $0x80, v3, vm0, $0xb8;
	[tilespmem:$0x10400] =	vst v63  }
0x11c: {  	_ =	swait.ge [sflag:s28], $0x8000  }
0x11d: {  	[sflag:s28] =	ssyncset.done $0x0  }
0x11e: {  	[sflag:s28] =	ssyncadd.s32 $0xFFFF8000  }
0x11f: {  	v3 =	vld [tilespmem:$0x380];
	_ =	sdelay $0x4  }
0x120: {  	v58 =	vshll.u32 v3, $0x3  }
0x121: {  	v3 =	vand.u32 $0x7, v3;
	v4 =	vand.u32 $0xFFFFFFC0, v58  }
0x122: {  	v3 =	vor.u32 v3, v4  }
0x123: {  	v4 =	vperm.xlane v3, v0;
	_ =	sdelay $0x1  }
0x124: {  	v4 =	vadd.s32 v1, v4;
	_ =	sdelay $0x3  }
0x125: {  	s13 =	simm.s32 $0x8400  }
0x126: {  	[tilespmem:s13], [sflag:$0x2] =	stream.indirect_vreg.gather [hbm4b:s2+s3], $0x80, v4, vm0, $0xb8;
	[tilespmem:$0x10400] =	vst v63  }
0x127: {  	v3 =	vperm.xlane v3, v2;
	s13 =	simm.s32 $0x8C00  }
0x128: {  	[tilespmem:s13], [sflag:$0x2] =	stream.indirect_vreg.gather [hbm4b:s5+s3], $0x80, v4, vm0, $0xb8;
	[tilespmem:$0x10400] =	vst v63  }
0x129: {  	v3 =	vadd.s32 v1, v3;
	s13 =	simm.s32 $0x9400  }
0x12a: {  	[tilespmem:s13], [sflag:$0x2] =	stream.indirect_vreg.gather [hbm4b:s6+s3], $0x80, v4, vm0, $0xb8;
	[tilespmem:$0x10400] =	vst v63  }
0x12b: {  	s13 =	simm.s32 $0x9C00  }
0x12c: {  	[tilespmem:s13], [sflag:$0x2] =	stream.indirect_vreg.gather [hbm4b:s7+s3], $0x80, v4, vm0, $0xb8;
	[tilespmem:$0x10400] =	vst v63  }
0x12d: {  	s13 =	simm.s32 $0xA400  }
0x12e: {  	[tilespmem:s13], [sflag:$0x2] =	stream.indirect_vreg.gather [hbm4b:s2+s3], $0x80, v3, vm0, $0xb8;
	[tilespmem:$0x10400] =	vst v63  }
0x12f: {  	s13 =	simm.s32 $0xAC00  }
0x130: {  	[tilespmem:s13], [sflag:$0x2] =	stream.indirect_vreg.gather [hbm4b:s5+s3], $0x80, v3, vm0, $0xb8;
	[tilespmem:$0x10400] =	vst v63  }
0x131: {  	s13 =	simm.s32 $0xB400  }
0x132: {  	[tilespmem:s13], [sflag:$0x2] =	stream.indirect_vreg.gather [hbm4b:s6+s3], $0x80, v3, vm0, $0xb8;
	[tilespmem:$0x10400] =	vst v63  }
0x133: {  	s13 =	simm.s32 $0xBC00  }
0x134: {  	[tilespmem:s13], [sflag:$0x2] =	stream.indirect_vreg.gather [hbm4b:s7+s3], $0x80, v3, vm0, $0xb8;
	[tilespmem:$0x10400] =	vst v63  }
0x135: {  	v3 =	vld [tilespmem:$0x390];
	_ =	sdelay $0x4  }
0x136: {  	v59 =	vshll.u32 v3, $0x3  }
0x137: {  	v3 =	vand.u32 $0x7, v3;
	v4 =	vand.u32 $0xFFFFFFC0, v59  }
0x138: {  	v3 =	vor.u32 v3, v4  }
0x139: {  	v4 =	vperm.xlane v3, v0;
	_ =	sdelay $0x1  }
0x13a: {  	v4 =	vadd.s32 v1, v4;
	_ =	sdelay $0x3  }
0x13b: {  	s13 =	simm.s32 $0xC400  }
0x13c: {  	[tilespmem:s13], [sflag:$0x2] =	stream.indirect_vreg.gather [hbm4b:s2+s3], $0x80, v4, vm0, $0xb8;
	[tilespmem:$0x10400] =	vst v63  }
0x13d: {  	v3 =	vperm.xlane v3, v2;
	s13 =	simm.s32 $0xCC00  }
0x13e: {  	[tilespmem:s13], [sflag:$0x2] =	stream.indirect_vreg.gather [hbm4b:s5+s3], $0x80, v4, vm0, $0xb8;
	[tilespmem:$0x10400] =	vst v63  }
0x13f: {  	v3 =	vadd.s32 v1, v3;
	s13 =	simm.s32 $0xD400  }
0x140: {  	[tilespmem:s13], [sflag:$0x2] =	stream.indirect_vreg.gather [hbm4b:s6+s3], $0x80, v4, vm0, $0xb8;
	[tilespmem:$0x10400] =	vst v63  }
0x141: {  	s13 =	simm.s32 $0xDC00  }
0x142: {  	[tilespmem:s13], [sflag:$0x2] =	stream.indirect_vreg.gather [hbm4b:s7+s3], $0x80, v4, vm0, $0xb8;
	[tilespmem:$0x10400] =	vst v63  }
0x143: {  	s13 =	simm.s32 $0xE400  }
0x144: {  	[tilespmem:s13], [sflag:$0x2] =	stream.indirect_vreg.gather [hbm4b:s2+s3], $0x80, v3, vm0, $0xb8;
	[tilespmem:$0x10400] =	vst v63  }
0x145: {  	s13 =	simm.s32 $0xEC00  }
0x146: {  	[tilespmem:s13], [sflag:$0x2] =	stream.indirect_vreg.gather [hbm4b:s5+s3], $0x80, v3, vm0, $0xb8;
	[tilespmem:$0x10400] =	vst v63  }
0x147: {  	s13 =	simm.s32 $0xF400  }
0x148: {  	[tilespmem:s13], [sflag:$0x2] =	stream.indirect_vreg.gather [hbm4b:s6+s3], $0x80, v3, vm0, $0xb8;
	[tilespmem:$0x10400] =	vst v63  }
0x149: {  	s13 =	simm.s32 $0xFC00  }
0x14a: {  	[tilespmem:s13], [sflag:$0x2] =	stream.indirect_vreg.gather [hbm4b:s7+s3], $0x80, v3, vm0, $0xb8;
	[tilespmem:$0x10400] =	vst v63  }
0x14b: {  	_ =	swait.ge [sflag:s0], $0x8000  }
0x14c: {  	[sflag:s0] =	ssyncset.done $0x0  }
0x14d: {  	[sflag:s0] =	ssyncadd.s32 $0xFFFF8000  }
0x14e: {  	v3 =	vld [tilespmem:$0x100];
	_ =	sdelay $0x4  }
0x14f: {  	v60 =	vshll.u32 v3, $0x3  }
0x150: {  	v3 =	vand.u32 $0x7, v3;
	v4 =	vand.u32 $0xFFFFFFC0, v60  }
0x151: {  	v3 =	vor.u32 v3, v4  }
0x152: {  	v4 =	vperm.xlane v3, v0;
	_ =	sdelay $0x1  }
0x153: {  	v4 =	vadd.s32 v1, v4;
	_ =	sdelay $0x4  }
0x154: {  	[hbm4b:s4+s3] =	stream.indirect_vreg.scatter [tilespmem:s30], [sflag:$0x3], $0x80, v4, vm0, $0xb8;
	[tilespmem:$0x10400] =	vst v63  }
0x155: {  	v3 =	vperm.xlane v3, v2  }
0x156: {  	[hbm4b:s8+s3] =	stream.indirect_vreg.scatter [tilespmem:s31], [sflag:$0x3], $0x80, v4, vm0, $0xb8;
	[tilespmem:$0x10400] =	vst v63  }
0x157: {  	v3 =	vadd.s32 v1, v3  }
0x158: {  	[hbm4b:s9+s3] =	stream.indirect_vreg.scatter [tilespmem:s25], [sflag:$0x3], $0x80, v4, vm0, $0xb8;
	[tilespmem:$0x10400] =	vst v63  }
0x159: {  	_ = 	snop  }
0x15a: {  	[hbm4b:s10+s3] =	stream.indirect_vreg.scatter [tilespmem:s26], [sflag:$0x3], $0x80, v4, vm0, $0xb8;
	[tilespmem:$0x10400] =	vst v63  }
0x15b: {  	s31 =	simm.s32 $0x2400  }
0x15c: {  	[hbm4b:s4+s3] =	stream.indirect_vreg.scatter [tilespmem:s31], [sflag:$0x3], $0x80, v3, vm0, $0xb8;
	[tilespmem:$0x10400] =	vst v63  }
0x15d: {  	_ = 	snop  }
0x15e: {  	[hbm4b:s8+s3] =	stream.indirect_vreg.scatter [tilespmem:s14], [sflag:$0x3], $0x80, v3, vm0, $0xb8;
	[tilespmem:$0x10400] =	vst v63  }
0x15f: {  	_ = 	snop  }
0x160: {  	[hbm4b:s9+s3] =	stream.indirect_vreg.scatter [tilespmem:s15], [sflag:$0x3], $0x80, v3, vm0, $0xb8;
	[tilespmem:$0x10400] =	vst v63  }
0x161: {  	_ = 	snop  }
0x162: {  	[hbm4b:s10+s3] =	stream.indirect_vreg.scatter [tilespmem:s16], [sflag:$0x3], $0x80, v3, vm0, $0xb8;
	[tilespmem:$0x10400] =	vst v63  }
0x163: {  	v3 =	vld [tilespmem:$0x110];
	_ =	sdelay $0x4  }
0x164: {  	v61 =	vshll.u32 v3, $0x3  }
0x165: {  	v3 =	vand.u32 $0x7, v3;
	v4 =	vand.u32 $0xFFFFFFC0, v61  }
0x166: {  	v3 =	vor.u32 v3, v4  }
0x167: {  	v4 =	vperm.xlane v3, v0;
	_ =	sdelay $0x1  }
0x168: {  	v4 =	vadd.s32 v1, v4;
	_ =	sdelay $0x4  }
0x169: {  	[hbm4b:s4+s3] =	stream.indirect_vreg.scatter [tilespmem:s17], [sflag:$0x3], $0x80, v4, vm0, $0xb8;
	[tilespmem:$0x10400] =	vst v63  }
0x16a: {  	v3 =	vperm.xlane v3, v2  }
0x16b: {  	[hbm4b:s8+s3] =	stream.indirect_vreg.scatter [tilespmem:s18], [sflag:$0x3], $0x80, v4, vm0, $0xb8;
	[tilespmem:$0x10400] =	vst v63  }
0x16c: {  	v3 =	vadd.s32 v1, v3  }
0x16d: {  	[hbm4b:s9+s3] =	stream.indirect_vreg.scatter [tilespmem:s19], [sflag:$0x3], $0x80, v4, vm0, $0xb8;
	[tilespmem:$0x10400] =	vst v63  }
0x16e: {  	_ = 	snop  }
0x16f: {  	[hbm4b:s10+s3] =	stream.indirect_vreg.scatter [tilespmem:s20], [sflag:$0x3], $0x80, v4, vm0, $0xb8;
	[tilespmem:$0x10400] =	vst v63  }
0x170: {  	_ = 	snop  }
0x171: {  	[hbm4b:s4+s3] =	stream.indirect_vreg.scatter [tilespmem:s21], [sflag:$0x3], $0x80, v3, vm0, $0xb8;
	[tilespmem:$0x10400] =	vst v63  }
0x172: {  	_ = 	snop  }
0x173: {  	[hbm4b:s8+s3] =	stream.indirect_vreg.scatter [tilespmem:s22], [sflag:$0x3], $0x80, v3, vm0, $0xb8;
	[tilespmem:$0x10400] =	vst v63  }
0x174: {  	_ = 	snop  }
0x175: {  	[hbm4b:s9+s3] =	stream.indirect_vreg.scatter [tilespmem:s23], [sflag:$0x3], $0x80, v3, vm0, $0xb8;
	[tilespmem:$0x10400] =	vst v63  }
0x176: {  	_ = 	snop  }
0x177: {  	[hbm4b:s10+s3] =	stream.indirect_vreg.scatter [tilespmem:s24], [sflag:$0x3], $0x80, v3, vm0, $0xb8;
	[tilespmem:$0x10400] =	vst v63  }
0x178: {  	_ =	swait.ge [sflag:s1], $0x8000  }
0x179: {  	[sflag:s1] =	ssyncset.done $0x0  }
0x17a: {  	[sflag:s1] =	ssyncadd.s32 $0xFFFF8000  }
0x17b: {  	v3 =	vld [tilespmem:$0x180];
	_ =	sdelay $0x4  }
0x17c: {  	v62 =	vshll.u32 v3, $0x3  }
0x17d: {  	v3 =	vand.u32 $0x7, v3;
	v4 =	vand.u32 $0xFFFFFFC0, v62  }
0x17e: {  	v3 =	vor.u32 v3, v4  }
0x17f: {  	v4 =	vperm.xlane v3, v0;
	_ =	sdelay $0x1  }
0x180: {  	v4 =	vadd.s32 v1, v4;
	_ =	sdelay $0x3  }
0x181: {  	s1 =	simm.s32 $0x8400  }
0x182: {  	[hbm4b:s4+s3] =	stream.indirect_vreg.scatter [tilespmem:s1], [sflag:$0x4], $0x80, v4, vm0, $0xb8;
	[tilespmem:$0x10400] =	vst v63  }
0x183: {  	s30 =	simm.s32 $0x8C00;
	v3 =	vperm.xlane v3, v2  }
0x184: {  	[hbm4b:s8+s3] =	stream.indirect_vreg.scatter [tilespmem:s30], [sflag:$0x4], $0x80, v4, vm0, $0xb8;
	[tilespmem:$0x10400] =	vst v63  }
0x185: {  	s31 =	simm.s32 $0x9400;
	v3 =	vadd.s32 v1, v3  }
0x186: {  	[hbm4b:s9+s3] =	stream.indirect_vreg.scatter [tilespmem:s31], [sflag:$0x4], $0x80, v4, vm0, $0xb8;
	[tilespmem:$0x10400] =	vst v63  }
0x187: {  	s1 =	simm.s32 $0x9C00  }
0x188: {  	[hbm4b:s10+s3] =	stream.indirect_vreg.scatter [tilespmem:s1], [sflag:$0x4], $0x80, v4, vm0, $0xb8;
	[tilespmem:$0x10400] =	vst v63  }
0x189: {  	s30 =	simm.s32 $0xA400  }
0x18a: {  	[hbm4b:s4+s3] =	stream.indirect_vreg.scatter [tilespmem:s30], [sflag:$0x4], $0x80, v3, vm0, $0xb8;
	[tilespmem:$0x10400] =	vst v63  }
0x18b: {  	s31 =	simm.s32 $0xAC00  }
0x18c: {  	[hbm4b:s8+s3] =	stream.indirect_vreg.scatter [tilespmem:s31], [sflag:$0x4], $0x80, v3, vm0, $0xb8;
	[tilespmem:$0x10400] =	vst v63  }
0x18d: {  	s1 =	simm.s32 $0xB400  }
0x18e: {  	[hbm4b:s9+s3] =	stream.indirect_vreg.scatter [tilespmem:s1], [sflag:$0x4], $0x80, v3, vm0, $0xb8;
	[tilespmem:$0x10400] =	vst v63  }
0x18f: {  	s30 =	simm.s32 $0xBC00  }
0x190: {  	[hbm4b:s10+s3] =	stream.indirect_vreg.scatter [tilespmem:s30], [sflag:$0x4], $0x80, v3, vm0, $0xb8;
	[tilespmem:$0x10400] =	vst v63  }
0x191: {  	v3 =	vld [tilespmem:$0x190];
	_ =	sdelay $0x4  }
0x192: {  	v63 =	vshll.u32 v3, $0x3  }
0x193: {  	v3 =	vand.u32 $0x7, v3;
	v4 =	vand.u32 $0xFFFFFFC0, v63  }
0x194: {  	v3 =	vor.u32 v3, v4  }
0x195: {  	v4 =	vperm.xlane v3, v0;
	_ =	sdelay $0x1  }
0x196: {  	v4 =	vadd.s32 v1, v4;
	_ =	sdelay $0x3  }
0x197: {  	s31 =	simm.s32 $0xC400  }
0x198: {  	[hbm4b:s4+s3] =	stream.indirect_vreg.scatter [tilespmem:s31], [sflag:$0x4], $0x80, v4, vm0, $0xb8;
	[tilespmem:$0x10400] =	vst v63  }
0x199: {  	s1 =	simm.s32 $0xCC00;
	v3 =	vperm.xlane v3, v2  }
0x19a: {  	[hbm4b:s8+s3] =	stream.indirect_vreg.scatter [tilespmem:s1], [sflag:$0x4], $0x80, v4, vm0, $0xb8;
	[tilespmem:$0x10400] =	vst v63  }
0x19b: {  	s30 =	simm.s32 $0xD400;
	v3 =	vadd.s32 v1, v3  }
0x19c: {  	[hbm4b:s9+s3] =	stream.indirect_vreg.scatter [tilespmem:s30], [sflag:$0x4], $0x80, v4, vm0, $0xb8;
	[tilespmem:$0x10400] =	vst v63  }
0x19d: {  	s31 =	simm.s32 $0xDC00  }
0x19e: {  	[hbm4b:s10+s3] =	stream.indirect_vreg.scatter [tilespmem:s31], [sflag:$0x4], $0x80, v4, vm0, $0xb8;
	[tilespmem:$0x10400] =	vst v63  }
0x19f: {  	s1 =	simm.s32 $0xE400  }
0x1a0: {  	[hbm4b:s4+s3] =	stream.indirect_vreg.scatter [tilespmem:s1], [sflag:$0x4], $0x80, v3, vm0, $0xb8;
	[tilespmem:$0x10400] =	vst v63  }
0x1a1: {  	s30 =	simm.s32 $0xEC00  }
0x1a2: {  	[hbm4b:s8+s3] =	stream.indirect_vreg.scatter [tilespmem:s30], [sflag:$0x4], $0x80, v3, vm0, $0xb8;
	[tilespmem:$0x10400] =	vst v63  }
0x1a3: {  	s31 =	simm.s32 $0xF400  }
0x1a4: {  	[hbm4b:s9+s3] =	stream.indirect_vreg.scatter [tilespmem:s31], [sflag:$0x4], $0x80, v3, vm0, $0xb8;
	[tilespmem:$0x10400] =	vst v63  }
0x1a5: {  	s13 =	simm.s32 $0xFC00  }
0x1a6: {  	[hbm4b:s10+s3] =	stream.indirect_vreg.scatter [tilespmem:s13], [sflag:$0x4], $0x80, v3, vm0, $0xb8;
	[tilespmem:$0x10400] =	vst v63  }
0x1a7: {  	p0 =	sne.s32 s29, $0x1;
	_ =	swait.ge [sflag:s11], $0x8000  }
.Ltmp0:
0x1a8: {  	[sflag:s11] =	ssyncset.done $0x0;
	(pc) =	sbr.rel @p0 .LBB2_1-.Ltmp0, $4  }
0x1a9: {  	[sflag:s11] =	ssyncadd.s32 $0xFFFF8000  }
0x1aa: {  	_ =	swait.ge [sflag:s28], $0x8000  }
0x1ab: {  	[sflag:s28] =	ssyncset.done $0x0  }
0x1ac: {  	s29 =	sadd.s32 $0xFFFFFFFF, s29;
	[sflag:s28] =	ssyncadd.s32 $0xFFFF8000  }
0x1ad: {  	_ =	sfence.sel $0x180000  }
0x1ae: {  	[bflag:$0x0] =	sbarrier.arrive $0xFFFF  }
0x1af: {  	_ =	strace $0x90000047  }
0x1b0: {  	s0 =	stileid.u32;
	[bflag:$0x2] =	sbarrier.arrive $0xFFFF  }
0x1b1: {  	p0 =	sne.s32 s0, $0x0;
	s0 =	rddreg [dreg:$0x4]  }
0x1b2: {  	s0 =	sadd.s32 @!p0 $0x100000, s0  }
0x1b3: {  	[sflag:s0] =	ssyncadd.tile.s32 @!p0 $0x1;
	_ =	shalt  }
.Lfunc_end2:
_tile_overlayer_lowered:
.L_overlay_start_2:
0x1b4: {  	(tag) =	ssettag $0x2  }
0x1b5: {  	s0 =	rddreg [dreg:$0x0];
	s2 =	stileid.u32  }
0x1b6: {  	s1 =	rddreg [dreg:$0x1];
	p0 =	sne.s32 s2, $0x0  }
0x1b7: {  	s3 =	rddreg [dreg:$0x2];
	[bflag:$0x3] =	sbarrier.arrive $0xFFFF;
	s2 =	simm.s32 @!p0 $0x1C05  }
0x1b8: {  	[timem:s3], [sflag:s2] =	dma.local @!p0 [hbm:s0], s1  }
0x1b9: {  	s0 =	simm.s32 @!p0 $0x5  }
0x1ba: {  	_ =	swait.ge @!p0 [sflag:s0], s1  }
0x1bb: {  	s1 =	ssub.s32 @!p0 $0x0, s1;
	[sflag:s0] =	ssyncset.done @!p0 $0x0  }
0x1bc: {  	[sflag:s0] =	ssyncadd.s32 @!p0 s1  }
0x1bd: {  	[bflag:$0x3] =	sbarrier.arrive $0xFFFF  }
0x1be: {  	_ =	shalt  }

</sc_bundles>
